<compile_context>
chip_gen: v7x
topology: tpu7x:2x2x1
jax: 0.10.2.dev20260603
libtpu: 0.0.44.dev20260713+nightly
codegen_flags: <defaults>
</compile_context>

<pallas_src>
import functools

import jax
import jax.numpy as jnp
from jax import lax
from jax.experimental import pallas as pl
from jax.experimental.pallas import tpu as pltpu
from jax.experimental.pallas import tpu_sc as plsc

B, S, V, D, DOUT, C, H = 32, 256, 50257, 768, 1024, 10, 12
EOS = V - 1
DFF = 4 * D
DH = D // H
EPS = 1e-5

N_TOK = B * S
NW = 32
ROWS_PER_W = N_TOK // NW
CHUNK = 64

BF = jnp.bfloat16
F32 = jnp.float32


def _qgelu(x):
    return x * (1.0 / (1.0 + jnp.exp(-1.702 * x)))


def _bdot(a, b):
    return jnp.dot(a.astype(BF), b.astype(BF), preferred_element_type=F32)


def _split(a):
    hi = a.astype(BF).astype(F32)
    return hi, a - hi


def _pdot(a, b):
    ah, al = _split(a)
    bh, bl = _split(b)
    return (_bdot(ah, bh) + (_bdot(ah, bl) + _bdot(al, bh)))


def _pdot_pre(a, bh, bl):
    ah, al = _split(a)
    return (_bdot(ah, bh) + (_bdot(ah, bl) + _bdot(al, bh)))


def _pdot_t(ah, al, bh, bl):
    dn = (((0,), (0,)), ((), ()))
    d = lambda x, y: lax.dot_general(x.astype(BF), y.astype(BF), dn,
                                     preferred_element_type=F32)
    return (d(ah, bh) + (d(ah, bl) + d(al, bh)))


def _wpair(w):
    hi = w.astype(BF)
    return hi, (w - hi.astype(F32)).astype(BF)


def _sc_gather(idx, table):
    mesh = plsc.VectorSubcoreMesh(core_axis_name="c", subcore_axis_name="s")

    @functools.partial(
        pl.kernel,
        mesh=mesh,
        out_type=jax.ShapeDtypeStruct((N_TOK, D), jnp.float32),
        scratch_types=[
            pltpu.VMEM((CHUNK,), jnp.int32),
            pltpu.VMEM((CHUNK, D), jnp.float32),
            pltpu.SemaphoreType.DMA,
        ],
    )
    def gather_k(idx_hbm, table_hbm, out_hbm, idx_v, rows_v, sem):
        wid = lax.axis_index("s") * 2 + lax.axis_index("c")
        base = wid * ROWS_PER_W

        def body(j, carry):
            off = base + j * CHUNK
            pltpu.sync_copy(idx_hbm.at[pl.ds(off, CHUNK)], idx_v)
            pltpu.async_copy(table_hbm.at[idx_v], rows_v, sem).wait()
            pltpu.sync_copy(rows_v, out_hbm.at[pl.ds(off, CHUNK)])
            return carry

        lax.fori_loop(0, ROWS_PER_W // CHUNK, body, 0)

    return gather_k(idx, table)


def _expert_body(p1_ref, p2_ref, pg_ref, pb_ref, e_row_ref, wm_ref, bm_ref,
                 gm_ref, b2m_ref, out_ref, xvec_s):
    c = pl.program_id(0)

    @pl.when(c == 0)
    def _():
        t = _bdot(e_row_ref[...], wm_ref[...]) + bm_ref[...]
        t = _qgelu(t)
        m = jnp.mean(t, axis=1, keepdims=True)
        v = jnp.mean((t - m) ** 2, axis=1, keepdims=True)
        xvec_s[...] = (t - m) / jnp.sqrt(v + EPS) * gm_ref[...] + b2m_ref[...]

    xv = xvec_s[...]
    e1 = _bdot(xv, p1_ref[0])
    e2 = _bdot(_qgelu(e1), p2_ref[0])
    t = e1 + e2
    m = jnp.mean(t, axis=1, keepdims=True)
    v = jnp.mean((t - m) ** 2, axis=1, keepdims=True)
    eo = (t - m) / jnp.sqrt(v + EPS) * pg_ref[0] + pb_ref[0]
    nrm = jnp.sqrt(jnp.sum(eo * eo, axis=1, keepdims=True))
    out_ref[0] = eo / nrm


def _experts(p, e_row):
    const = lambda shape: pl.BlockSpec(shape, lambda c: tuple(0 for _ in shape))
    return pl.pallas_call(
        _expert_body,
        grid=(C,),
        in_specs=[
            pl.BlockSpec((1, D, DOUT), lambda c: (c, 0, 0)),
            pl.BlockSpec((1, DOUT, DOUT), lambda c: (c, 0, 0)),
            pl.BlockSpec((1, 1, DOUT), lambda c: (c, 0, 0)),
            pl.BlockSpec((1, 1, DOUT), lambda c: (c, 0, 0)),
            const((1, D)), const((D, D)), const((1, D)), const((1, D)),
            const((1, D)),
        ],
        out_specs=pl.BlockSpec((1, 1, DOUT), lambda c: (c, 0, 0)),
        out_shape=jax.ShapeDtypeStruct((C, 1, DOUT), jnp.float32),
        scratch_shapes=[pltpu.VMEM((1, D), jnp.float32)],
    )(p['P1'], p['P2'], p['Pg'][:, None, :], p['Pb'][:, None, :], e_row,
      p['W_model'], p['b_model'][None, :], p['g_model'][None, :],
      p['b2_model'][None, :]).reshape(C, DOUT)


def _main_body(emb_ref, e_row_ref, e_col_ref, wqT_ref, bq_col_ref, wk_ref,
               g1r_ref, b1r_ref, g1c_ref, b1c_ref, wvh_ref, wvl_ref, bv_ref,
               woh_ref, wol_ref, bo_ref, g2_ref, b2_ref, wf1h_ref, wf1l_ref,
               bf1_ref, wf2h_ref, wf2l_ref, bf2_ref, wch_ref, wcl_ref,
               bcls_ref, outmat_ref,
               xcls_ref, embeds_ref,
               qkgh_s, qkgl_s, c_s):
    b = pl.program_id(0)

    @pl.when(b == 0)
    def _():
        ec = e_col_ref[...]
        m = jnp.mean(ec, axis=0, keepdims=True)
        v = jnp.mean((ec - m) ** 2, axis=0, keepdims=True)
        y_col = (ec - m) / jnp.sqrt(v + EPS) * g1c_ref[...] + b1c_ref[...]
        q_col = _pdot(wqT_ref[...], y_col) + bq_col_ref[...]
        ii = lax.broadcasted_iota(jnp.int32, (D, H), 0) // DH
        hh = lax.broadcasted_iota(jnp.int32, (D, H), 1)
        qbd = q_col * (ii == hh).astype(F32)
        qk = _pdot(wk_ref[...], qbd)
        qkg = qk * g1c_ref[...]
        hi = qkg.astype(BF)
        qkgh_s[...] = hi
        qkgl_s[...] = (qkg - hi.astype(F32)).astype(BF)
        c_s[...] = _pdot(b1r_ref[...], qk)

    emb = emb_ref[0]
    m = jnp.mean(emb, axis=1, keepdims=True)
    cen = emb - m
    s = jnp.sqrt(jnp.mean(cen * cen, axis=1, keepdims=True) + EPS)
    a = _bdot(cen, qkgh_s[...]) + _bdot(cen, qkgl_s[...])
    score = (a / s + c_s[...]) * (1.0 / 8.0)
    mx = jnp.max(score, axis=0, keepdims=True)
    ex = jnp.exp(score - mx)
    att = ex / jnp.sum(ex, axis=0, keepdims=True)
    w = att / s
    w_h, w_l = _split(w)
    cen_h, cen_l = _split(cen)
    wsum = _pdot_t(w_h, w_l, cen_h, cen_l)
    ybar = g1r_ref[...] * wsum + b1r_ref[...]
    o_all = _pdot_pre(ybar, wvh_ref[...], wvl_ref[...])
    hh = lax.broadcasted_iota(jnp.int32, (H, D), 0)
    dd = lax.broadcasted_iota(jnp.int32, (H, D), 1) // DH
    sel = (hh == dd).astype(F32)
    o_row = jnp.sum(o_all * sel, axis=0, keepdims=True) + bv_ref[...]
    h1 = e_row_ref[...] + _pdot_pre(o_row, woh_ref[...], wol_ref[...]) + bo_ref[...]
    m2 = jnp.mean(h1, axis=1, keepdims=True)
    v2 = jnp.mean((h1 - m2) ** 2, axis=1, keepdims=True)
    y2 = (h1 - m2) / jnp.sqrt(v2 + EPS) * g2_ref[...] + b2_ref[...]
    f = _qgelu(_pdot_pre(y2, wf1h_ref[...], wf1l_ref[...]) + bf1_ref[...])
    h2 = h1 + _pdot_pre(f, wf2h_ref[...], wf2l_ref[...]) + bf2_ref[...]
    xc = _pdot_pre(h2, wch_ref[...], wcl_ref[...]) + bcls_ref[...]
    xcls_ref[0] = xc
    mxv = jnp.max(xc, axis=1, keepdims=True)
    li = lax.broadcasted_iota(jnp.int32, (1, C), 1)
    cand = jnp.where(xc == mxv, li, C)
    idx = jnp.min(cand, axis=1, keepdims=True)
    li_col = lax.broadcasted_iota(jnp.int32, (C, 1), 0)
    onehot_col = (li_col == jnp.broadcast_to(idx, (C, 1))).astype(F32)
    embeds_ref[0] = jnp.sum(outmat_ref[...] * onehot_col, axis=0,
                            keepdims=True)


def _main(emb, p, e_row, e_col, outmat):
    const = lambda shape: pl.BlockSpec(shape, lambda b: tuple(0 for _ in shape))
    row = lambda name: p[name][None, :]
    return pl.pallas_call(
        _main_body,
        grid=(B,),
        in_specs=[
            pl.BlockSpec((1, S, D), lambda b: (b, 0, 0)),
            const((1, D)), const((D, 1)), const((D, D)), const((D, 1)),
            const((D, D)),
            const((1, D)), const((1, D)), const((D, 1)), const((D, 1)),
            const((D, D)), const((D, D)), const((1, D)),
            const((D, D)), const((D, D)), const((1, D)),
            const((1, D)), const((1, D)),
            const((D, DFF)), const((D, DFF)), const((1, DFF)),
            const((DFF, D)), const((DFF, D)), const((1, D)),
            const((D, C)), const((D, C)), const((1, C)),
            const((C, DOUT)),
        ],
        out_specs=[
            pl.BlockSpec((1, 1, C), lambda b: (b, 0, 0)),
            pl.BlockSpec((1, 1, DOUT), lambda b: (b, 0, 0)),
        ],
        out_shape=[
            jax.ShapeDtypeStruct((B, 1, C), jnp.float32),
            jax.ShapeDtypeStruct((B, 1, DOUT), jnp.float32),
        ],
        scratch_shapes=[
            pltpu.VMEM((D, H), BF),
            pltpu.VMEM((D, H), BF),
            pltpu.VMEM((1, H), jnp.float32),
        ],
    )(emb, e_row, e_col, p['Wq'].T, p['bq'][:, None], p['Wk'],
      row('ln1g'), row('ln1b'), p['ln1g'][:, None], p['ln1b'][:, None],
      *_wpair(p['Wv']), row('bv'), *_wpair(p['Wo']), row('bo'),
      row('ln2g'), row('ln2b'), *_wpair(p['Wf1']), row('bf1'),
      *_wpair(p['Wf2']), row('bf2'), *_wpair(p['Wcls']), row('bcls'), outmat)


def kernel(text, params):
    p = params
    idx = text.reshape(-1).astype(jnp.int32)
    e_row = lax.slice(p['wte'], (EOS, 0), (EOS + 1, D))
    e_col = e_row.reshape(D, 1)
    emb = _sc_gather(idx, p['wte']).reshape(B, S, D)
    outmat = _experts(p, e_row)
    x_cls, embeds = _main(emb, p, e_row, e_col, outmat)
    return embeds.reshape(B, DOUT), x_cls.reshape(B, C)

# --- scband reference (transcript-rebuilt; emitter-appended) ---
"""Pipeline reference for scband-text-encoder-30356828848486 (READ-ONLY COPY).

The authoritative reference and input builder live on the scoring server;
editing this copy changes nothing except your own understanding.
"""

import jax, jax.numpy as jnp
import numpy as np

B, S, V, D, DOUT, C, H = 32, 256, 50257, 768, 1024, 10, 12
EOS = V - 1
DFF = 4 * D
DH = D // H


def qgelu(x):
    return x * jax.nn.sigmoid(1.702 * x)


def ln(x, g, b, eps=1e-5):
    m = jnp.mean(x, axis=-1, keepdims=True)
    v = jnp.mean((x - m) ** 2, axis=-1, keepdims=True)
    return (x - m) / jnp.sqrt(v + eps) * g + b


def setup_inputs(seed: int = 0):
    key = jax.random.key(seed)
    ks = jax.random.split(key, 16)
    text = jax.random.randint(ks[0], (B, S), 0, EOS)
    text = text.at[:, -1].set(EOS)

    def nrm(k, shape, s=0.02):
        return (jax.random.normal(k, shape) * s).astype(jnp.float32)

    params = {
        'wte': nrm(ks[1], (V, D)),
        'W_model': nrm(ks[2], (D, D)), 'b_model': jnp.zeros((D,), jnp.float32),
        'g_model': jnp.ones((D,), jnp.float32), 'b2_model': jnp.zeros((D,), jnp.float32),
        'ln1g': jnp.ones((D,), jnp.float32), 'ln1b': jnp.zeros((D,), jnp.float32),
        'Wq': nrm(ks[3], (D, D)), 'bq': jnp.zeros((D,), jnp.float32),
        'Wk': nrm(ks[4], (D, D)), 'bk': jnp.zeros((D,), jnp.float32),
        'Wv': nrm(ks[5], (D, D)), 'bv': jnp.zeros((D,), jnp.float32),
        'Wo': nrm(ks[6], (D, D)), 'bo': jnp.zeros((D,), jnp.float32),
        'ln2g': jnp.ones((D,), jnp.float32), 'ln2b': jnp.zeros((D,), jnp.float32),
        'Wf1': nrm(ks[7], (D, DFF)), 'bf1': jnp.zeros((DFF,), jnp.float32),
        'Wf2': nrm(ks[8], (DFF, D)), 'bf2': jnp.zeros((D,), jnp.float32),
        'Wcls': nrm(ks[9], (D, C)), 'bcls': jnp.zeros((C,), jnp.float32),
        'P1': nrm(ks[10], (C, D, DOUT)),
        'P2': nrm(ks[11], (C, DOUT, DOUT)),
        'Pg': jnp.ones((C, DOUT), jnp.float32), 'Pb': jnp.zeros((C, DOUT), jnp.float32),
    }
    return {'text': text, 'params': params}


def reference(text, params):
    p = params
    # token embedding (model.wte)
    emb = jnp.take(p['wte'], text, axis=0)
    # proxy for external `model`: embed -> dense -> quickgelu -> layernorm
    hidden = ln(qgelu(emb @ p['W_model'] + p['b_model']), p['g_model'], p['b2_model'])
    # x = model(text)[0][(text == eos).nonzero(...)] : one eos per row (last token)
    eos_pos = jnp.argmax((text == EOS).astype(jnp.int32), axis=1)
    x = hidden[jnp.arange(B), eos_pos]
    # distribution_cls[0]: single-layer, 12-head pre-LN transformer (CLIP-style) on wte(text)
    h = emb
    y = ln(h, p['ln1g'], p['ln1b'])
    q = (y @ p['Wq'] + p['bq']).reshape(B, S, H, DH).transpose(0, 2, 1, 3)
    k = (y @ p['Wk'] + p['bk']).reshape(B, S, H, DH).transpose(0, 2, 1, 3)
    v = (y @ p['Wv'] + p['bv']).reshape(B, S, H, DH).transpose(0, 2, 1, 3)
    att = jax.nn.softmax(jnp.einsum('bhqd,bhkd->bhqk', q, k) / jnp.sqrt(float(DH)), axis=-1)
    o = jnp.einsum('bhqk,bhkd->bhqd', att, v).transpose(0, 2, 1, 3).reshape(B, S, D)
    h = h + (o @ p['Wo'] + p['bo'])
    y2 = ln(h, p['ln2g'], p['ln2b'])
    h = h + (qgelu(y2 @ p['Wf1'] + p['bf1']) @ p['Wf2'] + p['bf2'])
    # select token at argmax token-id (eos has max id)
    x_cls_tok = h[jnp.arange(B), jnp.argmax(text, axis=-1)]
    x_cls = x_cls_tok @ p['Wcls'] + p['bcls']
    # class routing: each sample dispatched to projection expert cls[i]
    cls = jnp.argmax(x_cls, axis=1)
    w1 = jnp.take(p['P1'], cls, axis=0)
    e1 = jnp.einsum('bd,bdo->bo', x, w1)
    w2 = jnp.take(p['P2'], cls, axis=0)
    e2 = jnp.einsum('bo,bop->bp', qgelu(e1), w2)  # dropout is identity in eval
    embeds = ln(e1 + e2, jnp.take(p['Pg'], cls, axis=0), jnp.take(p['Pb'], cls, axis=0))
    n = jnp.linalg.norm(embeds, axis=-1, keepdims=True)
    return embeds / n, x_cls

if __name__ == "__main__":
    import jax
    _d = setup_inputs()
    print(jax.jit(kernel)(*tuple(_d.values())))

</pallas_src>

<mosaic_0001>
#map = affine_map<(d0, d1) -> (0)>
#map1 = affine_map<(d0, d1) -> (0, 0)>
module attributes {stable_mosaic.version = 14 : i64} {
  func.func @gather_k(%arg0: i32, %arg1: i32, %arg2: memref<8192xi32, #tpu.memory_space<hbm>>, %arg3: memref<50257x768xf32, #tpu.memory_space<hbm>>, %arg4: memref<8192x768xf32, #tpu.memory_space<hbm>>, %arg5: memref<64xi32, #tpu.memory_space<vmem>>, %arg6: memref<64x768xf32, #tpu.memory_space<vmem>>, %arg7: memref<!tpu.dma_semaphore, #tpu.memory_space<semaphore_mem>>) attributes {dimension_semantics = [#tpu.dimension_semantics<core_parallel>, #tpu.dimension_semantics<subcore_parallel>], iteration_bounds = array<i64: 2, 16>, scalar_prefetch = 0 : i64, scratch_operands = 3 : i64, tpu.core_type = #tpu.core_type<sc_vector_subcore>, window_params = [{transform_indices = #map}, {transform_indices = #map1}, {transform_indices = #map1}]} {
    %mul3A = arith.constant 2 : i32
    %mul3A_0 = arith.muli %arg1, %mul3A : i32
    %add3A = arith.addi %mul3A_0, %arg0 : i32
    %mul3A_1 = arith.constant 256 : i32
    %mul3A_2 = arith.muli %add3A, %mul3A_1 : i32
    %scan3A = arith.constant 0 : i32
    %scan3A_3 = arith.constant 0 : i32
    %scan3A_4 = arith.constant 4 : i32
    %scan3A_5 = arith.addi %scan3A_3, %scan3A_4 : i32
    %scan3A_6 = arith.constant 1 : i32
    scf.for %scan3A_8 = %scan3A_3 to %scan3A_5 step %scan3A_6  : i32 {
      %mul3A_9 = arith.constant 64 : i32
      %mul3A_10 = arith.muli %scan3A_8, %mul3A_9 : i32
      %add3A_11 = arith.addi %mul3A_2, %mul3A_10 : i32
      "tpu.region"() ({
        %run_scoped3A = tpu.sem_alloc : memref<!tpu.dma_semaphore, #tpu.memory_space<semaphore_mem>>
        %dma_start3A_16 = tpu.memref_slice %arg2[%add3A_11] : memref<8192xi32, #tpu.memory_space<hbm>> -> memref<64xi32, #tpu.memory_space<hbm>>
        %dma_start3A_17 = tpu.memref_slice %arg2[%add3A_11] : memref<8192xi32, #tpu.memory_space<hbm>> -> memref<64xi32, #tpu.memory_space<hbm>>
        tpu.enqueue_dma source(%dma_start3A_17 : memref<64xi32, #tpu.memory_space<hbm>>) target(%arg5 : memref<64xi32, #tpu.memory_space<vmem>>) target_semaphore(%run_scoped3A : memref<!tpu.dma_semaphore, #tpu.memory_space<semaphore_mem>>)
        %dma_wait3A_18 = tpu.memref_slice %arg2[%add3A_11] : memref<8192xi32, #tpu.memory_space<hbm>> -> memref<64xi32, #tpu.memory_space<hbm>>
        %dma_wait3A_19 = tpu.memref_slice %arg2[%add3A_11] : memref<8192xi32, #tpu.memory_space<hbm>> -> memref<64xi32, #tpu.memory_space<hbm>>
        tpu.wait_dma2 semaphore(%run_scoped3A : memref<!tpu.dma_semaphore, #tpu.memory_space<semaphore_mem>>) src(%dma_wait3A_19 : memref<64xi32, #tpu.memory_space<hbm>>) dst(%arg5 : memref<64xi32, #tpu.memory_space<vmem>>)
        tpu.yield
      }) : () -> ()
      %dma_start3A = arith.constant 0 : i32
      %dma_start3A_12 = arith.constant 0 : i32
      %dma_start3A_13 = tpu.memref_slice %arg3[%dma_start3A, %dma_start3A_12] : memref<50257x768xf32, #tpu.memory_space<hbm>> -> memref<50257x768xf32, #tpu.memory_space<hbm>>
      tpu.enqueue_indirect_dma source(%dma_start3A_13 : memref<50257x768xf32, #tpu.memory_space<hbm>>) target(%arg6 : memref<64x768xf32, #tpu.memory_space<vmem>>) offsets(%arg5 : memref<64xi32, #tpu.memory_space<vmem>>) semaphore(%arg7 : memref<!tpu.dma_semaphore, #tpu.memory_space<semaphore_mem>>)
      %dma_wait3A = arith.constant 0 : i32
      %dma_wait3A_14 = arith.constant 0 : i32
      %dma_wait3A_15 = tpu.memref_slice %arg3[%dma_wait3A, %dma_wait3A_14] : memref<50257x768xf32, #tpu.memory_space<hbm>> -> memref<50257x768xf32, #tpu.memory_space<hbm>>
      tpu.wait_indirect_dma semaphore(%arg7 : memref<!tpu.dma_semaphore, #tpu.memory_space<semaphore_mem>>) src(%dma_wait3A_15 : memref<50257x768xf32, #tpu.memory_space<hbm>>) dst(%arg6 : memref<64x768xf32, #tpu.memory_space<vmem>>)
      "tpu.region"() ({
        %run_scoped3A = tpu.sem_alloc : memref<!tpu.dma_semaphore, #tpu.memory_space<semaphore_mem>>
        %dma_start3A_16 = arith.constant 0 : i32
        %dma_start3A_17 = tpu.memref_slice %arg4[%add3A_11, %dma_start3A_16] : memref<8192x768xf32, #tpu.memory_space<hbm>> -> memref<64x768xf32, #tpu.memory_space<hbm>>
        %dma_start3A_18 = arith.constant 0 : i32
        %dma_start3A_19 = tpu.memref_slice %arg4[%add3A_11, %dma_start3A_18] : memref<8192x768xf32, #tpu.memory_space<hbm>> -> memref<64x768xf32, #tpu.memory_space<hbm>>
        tpu.enqueue_dma source(%arg6 : memref<64x768xf32, #tpu.memory_space<vmem>>) target(%dma_start3A_19 : memref<64x768xf32, #tpu.memory_space<hbm>>) target_semaphore(%run_scoped3A : memref<!tpu.dma_semaphore, #tpu.memory_space<semaphore_mem>>)
        %dma_wait3A_20 = arith.constant 0 : i32
        %dma_wait3A_21 = tpu.memref_slice %arg4[%add3A_11, %dma_wait3A_20] : memref<8192x768xf32, #tpu.memory_space<hbm>> -> memref<64x768xf32, #tpu.memory_space<hbm>>
        %dma_wait3A_22 = arith.constant 0 : i32
        %dma_wait3A_23 = tpu.memref_slice %arg4[%add3A_11, %dma_wait3A_22] : memref<8192x768xf32, #tpu.memory_space<hbm>> -> memref<64x768xf32, #tpu.memory_space<hbm>>
        tpu.wait_dma2 semaphore(%run_scoped3A : memref<!tpu.dma_semaphore, #tpu.memory_space<semaphore_mem>>) src(%arg6 : memref<64x768xf32, #tpu.memory_space<vmem>>) dst(%dma_wait3A_23 : memref<64x768xf32, #tpu.memory_space<hbm>>)
        tpu.yield
      }) : () -> ()
    }
    %scan3A_7 = arith.constant 4 : i32
    return
  }
}

module attributes {stable_mosaic.version = 14 : i64} {
  func.func @_expert_body(%arg0: i32, %arg1: memref<1x768x1024xf32, #tpu.memory_space<vmem>>, %arg2: memref<1x1024x1024xf32, #tpu.memory_space<vmem>>, %arg3: memref<1x1x1024xf32, #tpu.memory_space<vmem>>, %arg4: memref<1x1x1024xf32, #tpu.memory_space<vmem>>, %arg5: memref<1x768xf32, #tpu.memory_space<vmem>>, %arg6: memref<768x768xf32, #tpu.memory_space<vmem>>, %arg7: memref<1x768xf32, #tpu.memory_space<vmem>>, %arg8: memref<1x768xf32, #tpu.memory_space<vmem>>, %arg9: memref<1x768xf32, #tpu.memory_space<vmem>>, %arg10: memref<1x1x1024xf32, #tpu.memory_space<vmem>>, %arg11: memref<1x768xf32, #tpu.memory_space<vmem>>) attributes {dimension_semantics = [#tpu.dimension_semantics<arbitrary>], iteration_bounds = array<i64: 10>, scalar_prefetch = 0 : i64, scratch_operands = 1 : i64, tpu.core_type = #tpu.core_type<tc>, window_params = [{transform_indices = @transform_0, window_bounds = array<i64: 1, 768, 1024>}, {transform_indices = @transform_1, window_bounds = array<i64: 1, 1024, 1024>}, {transform_indices = @transform_2, window_bounds = array<i64: 1, 1, 1024>}, {transform_indices = @transform_3, window_bounds = array<i64: 1, 1, 1024>}, {pipeline_mode = #tpu.pipeline_mode<synchronous>, transform_indices = @transform_4, window_bounds = array<i64: 1, 768>}, {pipeline_mode = #tpu.pipeline_mode<synchronous>, transform_indices = @transform_5, window_bounds = array<i64: 768, 768>}, {pipeline_mode = #tpu.pipeline_mode<synchronous>, transform_indices = @transform_6, window_bounds = array<i64: 1, 768>}, {pipeline_mode = #tpu.pipeline_mode<synchronous>, transform_indices = @transform_7, window_bounds = array<i64: 1, 768>}, {pipeline_mode = #tpu.pipeline_mode<synchronous>, transform_indices = @transform_8, window_bounds = array<i64: 1, 768>}, {transform_indices = @transform_9, window_bounds = array<i64: 1, 1, 1024>}]} {
    %eq3A = arith.constant 0 : i32
    %eq3A_0 = arith.cmpi eq, %arg0, %eq3A : i32
    %convert_element_type3A = arith.extui %eq3A_0 : i1 to i32
    %cond3A = arith.constant 0 : i32
    %cond3A_1 = arith.cmpi ne, %convert_element_type3A, %cond3A : i32
    scf.if %cond3A_1 {
      %get3A_71 = arith.constant 0 : index
      %get3A_72 = arith.constant 0 : index
      %get3A_73 = vector.load %arg5[%get3A_71, %get3A_72] : memref<1x768xf32, #tpu.memory_space<vmem>>, vector<1x768xf32>
      %get3A_74 = arith.constant 0 : index
      %get3A_75 = arith.constant 0 : index
      %get3A_76 = vector.load %arg6[%get3A_74, %get3A_75] : memref<768x768xf32, #tpu.memory_space<vmem>>, vector<768x768xf32>
      %convert_element_type3A_77 = arith.truncf %get3A_73 : vector<1x768xf32> to vector<1x768xbf16>
      %convert_element_type3A_78 = arith.truncf %get3A_76 : vector<768x768xf32> to vector<768x768xbf16>
      %dot_general3A_79 = arith.constant dense<0.000000e+00> : vector<1x768xf32>
      %dot_general3A_80 = tpu.matmul %convert_element_type3A_77, %convert_element_type3A_78, %dot_general3A_79 {dimension_numbers = #tpu.dot_dimension_numbers<[1], [0], [0], [1], [0, 0, 1, 1], [], []>, transpose_lhs_hint = false} : vector<1x768xbf16>, vector<768x768xbf16>, vector<1x768xf32> -> vector<1x768xf32>
      %get3A_81 = arith.constant 0 : index
      %get3A_82 = arith.constant 0 : index
      %get3A_83 = vector.load %arg7[%get3A_81, %get3A_82] : memref<1x768xf32, #tpu.memory_space<vmem>>, vector<1x768xf32>
      %add3A_84 = arith.addf %dot_general3A_80, %get3A_83 : vector<1x768xf32>
      %mul3A_85 = arith.constant -1.702000e+00 : f32
      %mul3A_86 = vector.broadcast %mul3A_85 : f32 to vector<1x768xf32>
      %mul3A_87 = arith.mulf %mul3A_86, %add3A_84 : vector<1x768xf32>
      %exp3A_88 = math.exp %mul3A_87 : vector<1x768xf32>
      %add3A_89 = arith.constant 1.000000e+00 : f32
      %add3A_90 = vector.broadcast %add3A_89 : f32 to vector<1x768xf32>
      %add3A_91 = arith.addf %add3A_90, %exp3A_88 : vector<1x768xf32>
      %div3A_92 = arith.constant 1.000000e+00 : f32
      %div3A_93 = vector.broadcast %div3A_92 : f32 to vector<1x768xf32>
      %div3A_94 = arith.divf %div3A_93, %add3A_91 : vector<1x768xf32>
      %mul3A_95 = arith.mulf %add3A_84, %div3A_94 : vector<1x768xf32>
      %reduce_sum3A_96 = arith.constant dense<0.000000e+00> : vector<1xf32>
      %reduce_sum3A_97 = vector.multi_reduction <add>, %mul3A_95, %reduce_sum3A_96 [1] : vector<1x768xf32> to vector<1xf32>
      %broadcast_in_dim3A_98 = vector.shape_cast %reduce_sum3A_97 : vector<1xf32> to vector<1x1xf32>
      %div3A_99 = arith.constant 7.680000e+02 : f32
      %div3A_100 = vector.broadcast %div3A_99 : f32 to vector<1x1xf32>
      %div3A_101 = arith.divf %broadcast_in_dim3A_98, %div3A_100 : vector<1x1xf32>
      %sub3A_102 = vector.broadcast %div3A_101 : vector<1x1xf32> to vector<1x768xf32>
      %sub3A_103 = arith.subf %mul3A_95, %sub3A_102 : vector<1x768xf32>
      %integer_pow3A_104 = arith.mulf %sub3A_103, %sub3A_103 : vector<1x768xf32>
      %reduce_sum3A_105 = arith.constant dense<0.000000e+00> : vector<1xf32>
      %reduce_sum3A_106 = vector.multi_reduction <add>, %integer_pow3A_104, %reduce_sum3A_105 [1] : vector<1x768xf32> to vector<1xf32>
      %broadcast_in_dim3A_107 = vector.shape_cast %reduce_sum3A_106 : vector<1xf32> to vector<1x1xf32>
      %div3A_108 = arith.constant 7.680000e+02 : f32
      %div3A_109 = vector.broadcast %div3A_108 : f32 to vector<1x1xf32>
      %div3A_110 = arith.divf %broadcast_in_dim3A_107, %div3A_109 : vector<1x1xf32>
      %sub3A_111 = vector.broadcast %div3A_101 : vector<1x1xf32> to vector<1x768xf32>
      %sub3A_112 = arith.subf %mul3A_95, %sub3A_111 : vector<1x768xf32>
      %add3A_113 = arith.constant 9.99999974E-6 : f32
      %add3A_114 = vector.broadcast %add3A_113 : f32 to vector<1x1xf32>
      %add3A_115 = arith.addf %div3A_110, %add3A_114 : vector<1x1xf32>
      %sqrt3A_116 = math.sqrt %add3A_115 : vector<1x1xf32>
      %div3A_117 = vector.broadcast %sqrt3A_116 : vector<1x1xf32> to vector<1x768xf32>
      %div3A_118 = arith.divf %sub3A_112, %div3A_117 : vector<1x768xf32>
      %get3A_119 = arith.constant 0 : index
      %get3A_120 = arith.constant 0 : index
      %get3A_121 = vector.load %arg8[%get3A_119, %get3A_120] : memref<1x768xf32, #tpu.memory_space<vmem>>, vector<1x768xf32>
      %mul3A_122 = arith.mulf %div3A_118, %get3A_121 : vector<1x768xf32>
      %get3A_123 = arith.constant 0 : index
      %get3A_124 = arith.constant 0 : index
      %get3A_125 = vector.load %arg9[%get3A_123, %get3A_124] : memref<1x768xf32, #tpu.memory_space<vmem>>, vector<1x768xf32>
      %add3A_126 = arith.addf %mul3A_122, %get3A_125 : vector<1x768xf32>
      %swap3A_127 = arith.constant 0 : index
      %swap3A_128 = arith.constant 0 : index
      %swap3A_129 = vector.load %arg11[%swap3A_127, %swap3A_128] : memref<1x768xf32, #tpu.memory_space<vmem>>, vector<1x768xf32>
      tpu.vector_store %arg11[%swap3A_127, %swap3A_128], %add3A_126 {strides = array<i32>} : memref<1x768xf32, #tpu.memory_space<vmem>>, vector<1x768xf32>,
    } else {
    }
    %get3A = arith.constant 0 : index
    %get3A_2 = arith.constant 0 : index
    %get3A_3 = vector.load %arg11[%get3A, %get3A_2] : memref<1x768xf32, #tpu.memory_space<vmem>>, vector<1x768xf32>
    %get3A_4 = arith.constant 0 : index
    %get3A_5 = arith.constant 0 : index
    %get3A_6 = arith.constant 0 : index
    %get3A_7 = vector.load %arg1[%get3A_4, %get3A_5, %get3A_6] : memref<1x768x1024xf32, #tpu.memory_space<vmem>>, vector<1x768x1024xf32>
    %get3A_8 = vector.shape_cast %get3A_7 : vector<1x768x1024xf32> to vector<768x1024xf32>
    %convert_element_type3A_9 = arith.truncf %get3A_3 : vector<1x768xf32> to vector<1x768xbf16>
    %convert_element_type3A_10 = arith.truncf %get3A_8 : vector<768x1024xf32> to vector<768x1024xbf16>
    %dot_general3A = arith.constant dense<0.000000e+00> : vector<1x1024xf32>
    %dot_general3A_11 = tpu.matmul %convert_element_type3A_9, %convert_element_type3A_10, %dot_general3A {dimension_numbers = #tpu.dot_dimension_numbers<[1], [0], [0], [1], [0, 0, 1, 1], [], []>, transpose_lhs_hint = false} : vector<1x768xbf16>, vector<768x1024xbf16>, vector<1x1024xf32> -> vector<1x1024xf32>
    %mul3A = arith.constant -1.702000e+00 : f32
    %mul3A_12 = vector.broadcast %mul3A : f32 to vector<1x1024xf32>
    %mul3A_13 = arith.mulf %mul3A_12, %dot_general3A_11 : vector<1x1024xf32>
    %exp3A = math.exp %mul3A_13 : vector<1x1024xf32>
    %add3A = arith.constant 1.000000e+00 : f32
    %add3A_14 = vector.broadcast %add3A : f32 to vector<1x1024xf32>
    %add3A_15 = arith.addf %add3A_14, %exp3A : vector<1x1024xf32>
    %div3A = arith.constant 1.000000e+00 : f32
    %div3A_16 = vector.broadcast %div3A : f32 to vector<1x1024xf32>
    %div3A_17 = arith.divf %div3A_16, %add3A_15 : vector<1x1024xf32>
    %mul3A_18 = arith.mulf %dot_general3A_11, %div3A_17 : vector<1x1024xf32>
    %get3A_19 = arith.constant 0 : index
    %get3A_20 = arith.constant 0 : index
    %get3A_21 = arith.constant 0 : index
    %get3A_22 = vector.load %arg2[%get3A_19, %get3A_20, %get3A_21] : memref<1x1024x1024xf32, #tpu.memory_space<vmem>>, vector<1x1024x1024xf32>
    %get3A_23 = vector.shape_cast %get3A_22 : vector<1x1024x1024xf32> to vector<1024x1024xf32>
    %convert_element_type3A_24 = arith.truncf %mul3A_18 : vector<1x1024xf32> to vector<1x1024xbf16>
    %convert_element_type3A_25 = arith.truncf %get3A_23 : vector<1024x1024xf32> to vector<1024x1024xbf16>
    %dot_general3A_26 = arith.constant dense<0.000000e+00> : vector<1x1024xf32>
    %dot_general3A_27 = tpu.matmul %convert_element_type3A_24, %convert_element_type3A_25, %dot_general3A_26 {dimension_numbers = #tpu.dot_dimension_numbers<[1], [0], [0], [1], [0, 0, 1, 1], [], []>, transpose_lhs_hint = false} : vector<1x1024xbf16>, vector<1024x1024xbf16>, vector<1x1024xf32> -> vector<1x1024xf32>
    %add3A_28 = arith.addf %dot_general3A_11, %dot_general3A_27 : vector<1x1024xf32>
    %reduce_sum3A = arith.constant dense<0.000000e+00> : vector<1xf32>
    %reduce_sum3A_29 = vector.multi_reduction <add>, %add3A_28, %reduce_sum3A [1] : vector<1x1024xf32> to vector<1xf32>
    %broadcast_in_dim3A = vector.shape_cast %reduce_sum3A_29 : vector<1xf32> to vector<1x1xf32>
    %div3A_30 = arith.constant 1.024000e+03 : f32
    %div3A_31 = vector.broadcast %div3A_30 : f32 to vector<1x1xf32>
    %div3A_32 = arith.divf %broadcast_in_dim3A, %div3A_31 : vector<1x1xf32>
    %sub3A = vector.broadcast %div3A_32 : vector<1x1xf32> to vector<1x1024xf32>
    %sub3A_33 = arith.subf %add3A_28, %sub3A : vector<1x1024xf32>
    %integer_pow3A = arith.mulf %sub3A_33, %sub3A_33 : vector<1x1024xf32>
    %reduce_sum3A_34 = arith.constant dense<0.000000e+00> : vector<1xf32>
    %reduce_sum3A_35 = vector.multi_reduction <add>, %integer_pow3A, %reduce_sum3A_34 [1] : vector<1x1024xf32> to vector<1xf32>
    %broadcast_in_dim3A_36 = vector.shape_cast %reduce_sum3A_35 : vector<1xf32> to vector<1x1xf32>
    %div3A_37 = arith.constant 1.024000e+03 : f32
    %div3A_38 = vector.broadcast %div3A_37 : f32 to vector<1x1xf32>
    %div3A_39 = arith.divf %broadcast_in_dim3A_36, %div3A_38 : vector<1x1xf32>
    %sub3A_40 = vector.broadcast %div3A_32 : vector<1x1xf32> to vector<1x1024xf32>
    %sub3A_41 = arith.subf %add3A_28, %sub3A_40 : vector<1x1024xf32>
    %add3A_42 = arith.constant 9.99999974E-6 : f32
    %add3A_43 = vector.broadcast %add3A_42 : f32 to vector<1x1xf32>
    %add3A_44 = arith.addf %div3A_39, %add3A_43 : vector<1x1xf32>
    %sqrt3A = math.sqrt %add3A_44 : vector<1x1xf32>
    %div3A_45 = vector.broadcast %sqrt3A : vector<1x1xf32> to vector<1x1024xf32>
    %div3A_46 = arith.divf %sub3A_41, %div3A_45 : vector<1x1024xf32>
    %get3A_47 = arith.constant 0 : index
    %get3A_48 = arith.constant 0 : index
    %get3A_49 = arith.constant 0 : index
    %get3A_50 = vector.load %arg3[%get3A_47, %get3A_48, %get3A_49] : memref<1x1x1024xf32, #tpu.memory_space<vmem>>, vector<1x1x1024xf32>
    %get3A_51 = vector.shape_cast %get3A_50 : vector<1x1x1024xf32> to vector<1x1024xf32>
    %mul3A_52 = arith.mulf %div3A_46, %get3A_51 : vector<1x1024xf32>
    %get3A_53 = arith.constant 0 : index
    %get3A_54 = arith.constant 0 : index
    %get3A_55 = arith.constant 0 : index
    %get3A_56 = vector.load %arg4[%get3A_53, %get3A_54, %get3A_55] : memref<1x1x1024xf32, #tpu.memory_space<vmem>>, vector<1x1x1024xf32>
    %get3A_57 = vector.shape_cast %get3A_56 : vector<1x1x1024xf32> to vector<1x1024xf32>
    %add3A_58 = arith.addf %mul3A_52, %get3A_57 : vector<1x1024xf32>
    %mul3A_59 = arith.mulf %add3A_58, %add3A_58 : vector<1x1024xf32>
    %reduce_sum3A_60 = arith.constant dense<0.000000e+00> : vector<1xf32>
    %reduce_sum3A_61 = vector.multi_reduction <add>, %mul3A_59, %reduce_sum3A_60 [1] : vector<1x1024xf32> to vector<1xf32>
    %broadcast_in_dim3A_62 = vector.shape_cast %reduce_sum3A_61 : vector<1xf32> to vector<1x1xf32>
    %sqrt3A_63 = math.sqrt %broadcast_in_dim3A_62 : vector<1x1xf32>
    %div3A_64 = vector.broadcast %sqrt3A_63 : vector<1x1xf32> to vector<1x1024xf32>
    %div3A_65 = arith.divf %add3A_58, %div3A_64 : vector<1x1024xf32>
    %swap3A = arith.constant 0 : index
    %swap3A_66 = arith.constant 0 : index
    %swap3A_67 = arith.constant 0 : index
    %swap3A_68 = vector.load %arg10[%swap3A, %swap3A_66, %swap3A_67] : memref<1x1x1024xf32, #tpu.memory_space<vmem>>, vector<1x1x1024xf32>
    %swap3A_69 = vector.shape_cast %swap3A_68 : vector<1x1x1024xf32> to vector<1x1024xf32>
    %swap3A_70 = vector.shape_cast %div3A_65 : vector<1x1024xf32> to vector<1x1x1024xf32>
    tpu.vector_store %arg10[%swap3A, %swap3A_66, %swap3A_67], %swap3A_70 {strides = array<i32>} : memref<1x1x1024xf32, #tpu.memory_space<vmem>>, vector<1x1x1024xf32>,
    return
  }
  func.func @transform_0(%arg0: i32) -> (i32, i32, i32) {
    %c0_i32 = arith.constant 0 : i32
    %c0_i32_0 = arith.constant 0 : i32
    %c0_i32_1 = arith.constant 0 : i32
    return %arg0, %c0_i32, %c0_i32_0 : i32, i32, i32
  }
  func.func @transform_1(%arg0: i32) -> (i32, i32, i32) {
    %c0_i32 = arith.constant 0 : i32
    %c0_i32_0 = arith.constant 0 : i32
    %c0_i32_1 = arith.constant 0 : i32
    return %arg0, %c0_i32, %c0_i32_0 : i32, i32, i32
  }
  func.func @transform_2(%arg0: i32) -> (i32, i32, i32) {
    %c0_i32 = arith.constant 0 : i32
    %c0_i32_0 = arith.constant 0 : i32
    %c0_i32_1 = arith.constant 0 : i32
    return %arg0, %c0_i32, %c0_i32_0 : i32, i32, i32
  }
  func.func @transform_3(%arg0: i32) -> (i32, i32, i32) {
    %c0_i32 = arith.constant 0 : i32
    %c0_i32_0 = arith.constant 0 : i32
    %c0_i32_1 = arith.constant 0 : i32
    return %arg0, %c0_i32, %c0_i32_0 : i32, i32, i32
  }
  func.func @transform_4(%arg0: i32) -> (i32, i32) {
    %c0_i32 = arith.constant 0 : i32
    %c0_i32_0 = arith.constant 0 : i32
    %c0_i32_1 = arith.constant 0 : i32
    return %c0_i32, %c0_i32_0 : i32, i32
  }
  func.func @transform_5(%arg0: i32) -> (i32, i32) {
    %c0_i32 = arith.constant 0 : i32
    %c0_i32_0 = arith.constant 0 : i32
    %c0_i32_1 = arith.constant 0 : i32
    return %c0_i32, %c0_i32_0 : i32, i32
  }
  func.func @transform_6(%arg0: i32) -> (i32, i32) {
    %c0_i32 = arith.constant 0 : i32
    %c0_i32_0 = arith.constant 0 : i32
    %c0_i32_1 = arith.constant 0 : i32
    return %c0_i32, %c0_i32_0 : i32, i32
  }
  func.func @transform_7(%arg0: i32) -> (i32, i32) {
    %c0_i32 = arith.constant 0 : i32
    %c0_i32_0 = arith.constant 0 : i32
    %c0_i32_1 = arith.constant 0 : i32
    return %c0_i32, %c0_i32_0 : i32, i32
  }
  func.func @transform_8(%arg0: i32) -> (i32, i32) {
    %c0_i32 = arith.constant 0 : i32
    %c0_i32_0 = arith.constant 0 : i32
    %c0_i32_1 = arith.constant 0 : i32
    return %c0_i32, %c0_i32_0 : i32, i32
  }
  func.func @transform_9(%arg0: i32) -> (i32, i32, i32) {
    %c0_i32 = arith.constant 0 : i32
    %c0_i32_0 = arith.constant 0 : i32
    %c0_i32_1 = arith.constant 0 : i32
    return %arg0, %c0_i32, %c0_i32_0 : i32, i32, i32
  }
}

module attributes {stable_mosaic.version = 14 : i64} {
  func.func @_main_body(%arg0: i32, %arg1: memref<1x256x768xf32, #tpu.memory_space<vmem>>, %arg2: memref<1x768xf32, #tpu.memory_space<vmem>>, %arg3: memref<768x1xf32, #tpu.memory_space<vmem>>, %arg4: memref<768x768xf32, #tpu.memory_space<vmem>>, %arg5: memref<768x1xf32, #tpu.memory_space<vmem>>, %arg6: memref<768x768xf32, #tpu.memory_space<vmem>>, %arg7: memref<1x768xf32, #tpu.memory_space<vmem>>, %arg8: memref<1x768xf32, #tpu.memory_space<vmem>>, %arg9: memref<768x1xf32, #tpu.memory_space<vmem>>, %arg10: memref<768x1xf32, #tpu.memory_space<vmem>>, %arg11: memref<768x768xbf16, #tpu.memory_space<vmem>>, %arg12: memref<768x768xbf16, #tpu.memory_space<vmem>>, %arg13: memref<1x768xf32, #tpu.memory_space<vmem>>, %arg14: memref<768x768xbf16, #tpu.memory_space<vmem>>, %arg15: memref<768x768xbf16, #tpu.memory_space<vmem>>, %arg16: memref<1x768xf32, #tpu.memory_space<vmem>>, %arg17: memref<1x768xf32, #tpu.memory_space<vmem>>, %arg18: memref<1x768xf32, #tpu.memory_space<vmem>>, %arg19: memref<768x3072xbf16, #tpu.memory_space<vmem>>, %arg20: memref<768x3072xbf16, #tpu.memory_space<vmem>>, %arg21: memref<1x3072xf32, #tpu.memory_space<vmem>>, %arg22: memref<3072x768xbf16, #tpu.memory_space<vmem>>, %arg23: memref<3072x768xbf16, #tpu.memory_space<vmem>>, %arg24: memref<1x768xf32, #tpu.memory_space<vmem>>, %arg25: memref<768x10xbf16, #tpu.memory_space<vmem>>, %arg26: memref<768x10xbf16, #tpu.memory_space<vmem>>, %arg27: memref<1x10xf32, #tpu.memory_space<vmem>>, %arg28: memref<10x1024xf32, #tpu.memory_space<vmem>>, %arg29: memref<1x1x10xf32, #tpu.memory_space<vmem>>, %arg30: memref<1x1x1024xf32, #tpu.memory_space<vmem>>, %arg31: memref<768x12xbf16, #tpu.memory_space<vmem>>, %arg32: memref<768x12xbf16, #tpu.memory_space<vmem>>, %arg33: memref<1x12xf32, #tpu.memory_space<vmem>>) attributes {dimension_semantics = [#tpu.dimension_semantics<arbitrary>], iteration_bounds = array<i64: 32>, scalar_prefetch = 0 : i64, scratch_operands = 3 : i64, tpu.core_type = #tpu.core_type<tc>, window_params = [{transform_indices = @transform_0, window_bounds = array<i64: 1, 256, 768>}, {pipeline_mode = #tpu.pipeline_mode<synchronous>, transform_indices = @transform_1, window_bounds = array<i64: 1, 768>}, {pipeline_mode = #tpu.pipeline_mode<synchronous>, transform_indices = @transform_2, window_bounds = array<i64: 768, 1>}, {pipeline_mode = #tpu.pipeline_mode<synchronous>, transform_indices = @transform_3, window_bounds = array<i64: 768, 768>}, {pipeline_mode = #tpu.pipeline_mode<synchronous>, transform_indices = @transform_4, window_bounds = array<i64: 768, 1>}, {pipeline_mode = #tpu.pipeline_mode<synchronous>, transform_indices = @transform_5, window_bounds = array<i64: 768, 768>}, {pipeline_mode = #tpu.pipeline_mode<synchronous>, transform_indices = @transform_6, window_bounds = array<i64: 1, 768>}, {pipeline_mode = #tpu.pipeline_mode<synchronous>, transform_indices = @transform_7, window_bounds = array<i64: 1, 768>}, {pipeline_mode = #tpu.pipeline_mode<synchronous>, transform_indices = @transform_8, window_bounds = array<i64: 768, 1>}, {pipeline_mode = #tpu.pipeline_mode<synchronous>, transform_indices = @transform_9, window_bounds = array<i64: 768, 1>}, {pipeline_mode = #tpu.pipeline_mode<synchronous>, transform_indices = @transform_10, window_bounds = array<i64: 768, 768>}, {pipeline_mode = #tpu.pipeline_mode<synchronous>, transform_indices = @transform_11, window_bounds = array<i64: 768, 768>}, {pipeline_mode = #tpu.pipeline_mode<synchronous>, transform_indices = @transform_12, window_bounds = array<i64: 1, 768>}, {pipeline_mode = #tpu.pipeline_mode<synchronous>, transform_indices = @transform_13, window_bounds = array<i64: 768, 768>}, {pipeline_mode = #tpu.pipeline_mode<synchronous>, transform_indices = @transform_14, window_bounds = array<i64: 768, 768>}, {pipeline_mode = #tpu.pipeline_mode<synchronous>, transform_indices = @transform_15, window_bounds = array<i64: 1, 768>}, {pipeline_mode = #tpu.pipeline_mode<synchronous>, transform_indices = @transform_16, window_bounds = array<i64: 1, 768>}, {pipeline_mode = #tpu.pipeline_mode<synchronous>, transform_indices = @transform_17, window_bounds = array<i64: 1, 768>}, {pipeline_mode = #tpu.pipeline_mode<synchronous>, transform_indices = @transform_18, window_bounds = array<i64: 768, 3072>}, {pipeline_mode = #tpu.pipeline_mode<synchronous>, transform_indices = @transform_19, window_bounds = array<i64: 768, 3072>}, {pipeline_mode = #tpu.pipeline_mode<synchronous>, transform_indices = @transform_20, window_bounds = array<i64: 1, 3072>}, {pipeline_mode = #tpu.pipeline_mode<synchronous>, transform_indices = @transform_21, window_bounds = array<i64: 3072, 768>}, {pipeline_mode = #tpu.pipeline_mode<synchronous>, transform_indices = @transform_22, window_bounds = array<i64: 3072, 768>}, {pipeline_mode = #tpu.pipeline_mode<synchronous>, transform_indices = @transform_23, window_bounds = array<i64: 1, 768>}, {pipeline_mode = #tpu.pipeline_mode<synchronous>, transform_indices = @transform_24, window_bounds = array<i64: 768, 10>}, {pipeline_mode = #tpu.pipeline_mode<synchronous>, transform_indices = @transform_25, window_bounds = array<i64: 768, 10>}, {pipeline_mode = #tpu.pipeline_mode<synchronous>, transform_indices = @transform_26, window_bounds = array<i64: 1, 10>}, {pipeline_mode = #tpu.pipeline_mode<synchronous>, transform_indices = @transform_27, window_bounds = array<i64: 10, 1024>}, {transform_indices = @transform_28, window_bounds = array<i64: 1, 1, 10>}, {transform_indices = @transform_29, window_bounds = array<i64: 1, 1, 1024>}]} {
    %eq3A = arith.constant 0 : i32
    %eq3A_0 = arith.cmpi eq, %arg0, %eq3A : i32
    %convert_element_type3A = arith.extui %eq3A_0 : i1 to i32
    %cond3A = arith.constant 0 : i32
    %cond3A_1 = arith.cmpi ne, %convert_element_type3A, %cond3A : i32
    scf.if %cond3A_1 {
      %get3A_316 = arith.constant 0 : index
      %get3A_317 = arith.constant 0 : index
      %get3A_318 = vector.load %arg3[%get3A_316, %get3A_317] : memref<768x1xf32, #tpu.memory_space<vmem>>, vector<768x1xf32>
      %reduce_sum3A_319 = arith.constant dense<0.000000e+00> : vector<1xf32>
      %reduce_sum3A_320 = vector.multi_reduction <add>, %get3A_318, %reduce_sum3A_319 [0] : vector<768x1xf32> to vector<1xf32>
      %broadcast_in_dim3A_321 = vector.shape_cast %reduce_sum3A_320 : vector<1xf32> to vector<1x1xf32>
      %div3A_322 = arith.constant 7.680000e+02 : f32
      %div3A_323 = vector.broadcast %div3A_322 : f32 to vector<1x1xf32>
      %div3A_324 = arith.divf %broadcast_in_dim3A_321, %div3A_323 : vector<1x1xf32>
      %sub3A_325 = vector.broadcast %div3A_324 : vector<1x1xf32> to vector<768x1xf32>
      %sub3A_326 = arith.subf %get3A_318, %sub3A_325 : vector<768x1xf32>
      %integer_pow3A_327 = arith.mulf %sub3A_326, %sub3A_326 : vector<768x1xf32>
      %reduce_sum3A_328 = arith.constant dense<0.000000e+00> : vector<1xf32>
      %reduce_sum3A_329 = vector.multi_reduction <add>, %integer_pow3A_327, %reduce_sum3A_328 [0] : vector<768x1xf32> to vector<1xf32>
      %broadcast_in_dim3A_330 = vector.shape_cast %reduce_sum3A_329 : vector<1xf32> to vector<1x1xf32>
      %div3A_331 = arith.constant 7.680000e+02 : f32
      %div3A_332 = vector.broadcast %div3A_331 : f32 to vector<1x1xf32>
      %div3A_333 = arith.divf %broadcast_in_dim3A_330, %div3A_332 : vector<1x1xf32>
      %sub3A_334 = vector.broadcast %div3A_324 : vector<1x1xf32> to vector<768x1xf32>
      %sub3A_335 = arith.subf %get3A_318, %sub3A_334 : vector<768x1xf32>
      %add3A_336 = arith.constant 9.99999974E-6 : f32
      %add3A_337 = vector.broadcast %add3A_336 : f32 to vector<1x1xf32>
      %add3A_338 = arith.addf %div3A_333, %add3A_337 : vector<1x1xf32>
      %sqrt3A_339 = math.sqrt %add3A_338 : vector<1x1xf32>
      %div3A_340 = vector.broadcast %sqrt3A_339 : vector<1x1xf32> to vector<768x1xf32>
      %div3A_341 = arith.divf %sub3A_335, %div3A_340 : vector<768x1xf32>
      %get3A_342 = arith.constant 0 : index
      %get3A_343 = arith.constant 0 : index
      %get3A_344 = vector.load %arg9[%get3A_342, %get3A_343] : memref<768x1xf32, #tpu.memory_space<vmem>>, vector<768x1xf32>
      %mul3A_345 = arith.mulf %div3A_341, %get3A_344 : vector<768x1xf32>
      %get3A_346 = arith.constant 0 : index
      %get3A_347 = arith.constant 0 : index
      %get3A_348 = vector.load %arg10[%get3A_346, %get3A_347] : memref<768x1xf32, #tpu.memory_space<vmem>>, vector<768x1xf32>
      %add3A_349 = arith.addf %mul3A_345, %get3A_348 : vector<768x1xf32>
      %get3A_350 = arith.constant 0 : index
      %get3A_351 = arith.constant 0 : index
      %get3A_352 = vector.load %arg4[%get3A_350, %get3A_351] : memref<768x768xf32, #tpu.memory_space<vmem>>, vector<768x768xf32>
      %convert_element_type3A_353 = arith.truncf %get3A_352 : vector<768x768xf32> to vector<768x768xbf16>
      %convert_element_type3A_354 = arith.extf %convert_element_type3A_353 : vector<768x768xbf16> to vector<768x768xf32>
      %sub3A_355 = arith.subf %get3A_352, %convert_element_type3A_354 : vector<768x768xf32>
      %convert_element_type3A_356 = arith.truncf %add3A_349 : vector<768x1xf32> to vector<768x1xbf16>
      %convert_element_type3A_357 = arith.extf %convert_element_type3A_356 : vector<768x1xbf16> to vector<768x1xf32>
      %sub3A_358 = arith.subf %add3A_349, %convert_element_type3A_357 : vector<768x1xf32>
      %convert_element_type3A_359 = arith.truncf %convert_element_type3A_354 : vector<768x768xf32> to vector<768x768xbf16>
      %convert_element_type3A_360 = arith.truncf %convert_element_type3A_357 : vector<768x1xf32> to vector<768x1xbf16>
      %dot_general3A_361 = arith.constant dense<0.000000e+00> : vector<768x1xf32>
      %dot_general3A_362 = tpu.matmul %convert_element_type3A_359, %convert_element_type3A_360, %dot_general3A_361 {dimension_numbers = #tpu.dot_dimension_numbers<[1], [0], [0], [1], [0, 0, 1, 1], [], []>, transpose_lhs_hint = false} : vector<768x768xbf16>, vector<768x1xbf16>, vector<768x1xf32> -> vector<768x1xf32>
      %convert_element_type3A_363 = arith.truncf %convert_element_type3A_354 : vector<768x768xf32> to vector<768x768xbf16>
      %convert_element_type3A_364 = arith.truncf %sub3A_358 : vector<768x1xf32> to vector<768x1xbf16>
      %dot_general3A_365 = arith.constant dense<0.000000e+00> : vector<768x1xf32>
      %dot_general3A_366 = tpu.matmul %convert_element_type3A_363, %convert_element_type3A_364, %dot_general3A_365 {dimension_numbers = #tpu.dot_dimension_numbers<[1], [0], [0], [1], [0, 0, 1, 1], [], []>, transpose_lhs_hint = false} : vector<768x768xbf16>, vector<768x1xbf16>, vector<768x1xf32> -> vector<768x1xf32>
      %convert_element_type3A_367 = arith.truncf %sub3A_355 : vector<768x768xf32> to vector<768x768xbf16>
      %convert_element_type3A_368 = arith.truncf %convert_element_type3A_357 : vector<768x1xf32> to vector<768x1xbf16>
      %dot_general3A_369 = arith.constant dense<0.000000e+00> : vector<768x1xf32>
      %dot_general3A_370 = tpu.matmul %convert_element_type3A_367, %convert_element_type3A_368, %dot_general3A_369 {dimension_numbers = #tpu.dot_dimension_numbers<[1], [0], [0], [1], [0, 0, 1, 1], [], []>, transpose_lhs_hint = false} : vector<768x768xbf16>, vector<768x1xbf16>, vector<768x1xf32> -> vector<768x1xf32>
      %add3A_371 = arith.addf %dot_general3A_366, %dot_general3A_370 : vector<768x1xf32>
      %add3A_372 = arith.addf %dot_general3A_362, %add3A_371 : vector<768x1xf32>
      %get3A_373 = arith.constant 0 : index
      %get3A_374 = arith.constant 0 : index
      %get3A_375 = vector.load %arg5[%get3A_373, %get3A_374] : memref<768x1xf32, #tpu.memory_space<vmem>>, vector<768x1xf32>
      %add3A_376 = arith.addf %add3A_372, %get3A_375 : vector<768x1xf32>
      %iota3A_377 = tpu.iota {dimensions = array<i32: 0>} : vector<768x12xi32>
      %jit3A_378 = arith.constant 64 : i32
      %div3A_379 = vector.broadcast %jit3A_378 : i32 to vector<768x12xi32>
      %div3A_380 = arith.divsi %iota3A_377, %div3A_379 : vector<768x12xi32>
      %sign3A_381 = arith.constant 0 : i32
      %sign3A_382 = vector.broadcast %sign3A_381 : i32 to vector<768x12xi32>
      %sign3A_383 = arith.cmpi sgt, %iota3A_377, %sign3A_382 : vector<768x12xi32>
      %sign3A_384 = arith.extui %sign3A_383 : vector<768x12xi1> to vector<768x12xi32>
      %sign3A_385 = arith.constant 0 : i32
      %sign3A_386 = vector.broadcast %sign3A_385 : i32 to vector<768x12xi32>
      %sign3A_387 = arith.cmpi slt, %iota3A_377, %sign3A_386 : vector<768x12xi32>
      %sign3A_388 = arith.extui %sign3A_387 : vector<768x12xi1> to vector<768x12xi32>
      %sign3A_389 = arith.subi %sign3A_384, %sign3A_388 : vector<768x12xi32>
      %sign3A_390 = arith.constant 0 : i32
      %sign3A_391 = arith.cmpi sgt, %jit3A_378, %sign3A_390 : i32
      %sign3A_392 = arith.extui %sign3A_391 : i1 to i32
      %sign3A_393 = arith.constant 0 : i32
      %sign3A_394 = arith.cmpi slt, %jit3A_378, %sign3A_393 : i32
      %sign3A_395 = arith.extui %sign3A_394 : i1 to i32
      %sign3A_396 = arith.subi %sign3A_392, %sign3A_395 : i32
      %ne3A_397 = vector.broadcast %sign3A_396 : i32 to vector<768x12xi32>
      %ne3A_398 = arith.cmpi ne, %sign3A_389, %ne3A_397 : vector<768x12xi32>
      %rem3A_399 = vector.broadcast %jit3A_378 : i32 to vector<768x12xi32>
      %rem3A_400 = arith.remsi %iota3A_377, %rem3A_399 : vector<768x12xi32>
      %ne3A_401 = arith.constant 0 : i32
      %ne3A_402 = vector.broadcast %ne3A_401 : i32 to vector<768x12xi32>
      %ne3A_403 = arith.cmpi ne, %rem3A_400, %ne3A_402 : vector<768x12xi32>
      %and3A_404 = arith.andi %ne3A_398, %ne3A_403 : vector<768x12xi1>
      %sub3A_405 = arith.constant 1 : i32
      %sub3A_406 = vector.broadcast %sub3A_405 : i32 to vector<768x12xi32>
      %sub3A_407 = arith.subi %div3A_380, %sub3A_406 : vector<768x12xi32>
      %select_n3A_408 = arith.select %and3A_404, %sub3A_407, %div3A_380 : vector<768x12xi1>, vector<768x12xi32>
      %iota3A_409 = tpu.iota {dimensions = array<i32: 1>} : vector<768x12xi32>
      %eq3A_410 = arith.cmpi eq, %select_n3A_408, %iota3A_409 : vector<768x12xi32>
      %convert_element_type3A_411 = arith.extui %eq3A_410 : vector<768x12xi1> to vector<768x12xi32>
      %convert_element_type3A_412 = arith.sitofp %convert_element_type3A_411 : vector<768x12xi32> to vector<768x12xf32>
      %mul3A_413 = vector.broadcast %add3A_376 : vector<768x1xf32> to vector<768x12xf32>
      %mul3A_414 = arith.mulf %mul3A_413, %convert_element_type3A_412 : vector<768x12xf32>
      %get3A_415 = arith.constant 0 : index
      %get3A_416 = arith.constant 0 : index
      %get3A_417 = vector.load %arg6[%get3A_415, %get3A_416] : memref<768x768xf32, #tpu.memory_space<vmem>>, vector<768x768xf32>
      %convert_element_type3A_418 = arith.truncf %get3A_417 : vector<768x768xf32> to vector<768x768xbf16>
      %convert_element_type3A_419 = arith.extf %convert_element_type3A_418 : vector<768x768xbf16> to vector<768x768xf32>
      %sub3A_420 = arith.subf %get3A_417, %convert_element_type3A_419 : vector<768x768xf32>
      %convert_element_type3A_421 = arith.truncf %mul3A_414 : vector<768x12xf32> to vector<768x12xbf16>
      %convert_element_type3A_422 = arith.extf %convert_element_type3A_421 : vector<768x12xbf16> to vector<768x12xf32>
      %sub3A_423 = arith.subf %mul3A_414, %convert_element_type3A_422 : vector<768x12xf32>
      %convert_element_type3A_424 = arith.truncf %convert_element_type3A_419 : vector<768x768xf32> to vector<768x768xbf16>
      %convert_element_type3A_425 = arith.truncf %convert_element_type3A_422 : vector<768x12xf32> to vector<768x12xbf16>
      %dot_general3A_426 = arith.constant dense<0.000000e+00> : vector<768x12xf32>
      %dot_general3A_427 = tpu.matmul %convert_element_type3A_424, %convert_element_type3A_425, %dot_general3A_426 {dimension_numbers = #tpu.dot_dimension_numbers<[1], [0], [0], [1], [0, 0, 1, 1], [], []>, transpose_lhs_hint = false} : vector<768x768xbf16>, vector<768x12xbf16>, vector<768x12xf32> -> vector<768x12xf32>
      %convert_element_type3A_428 = arith.truncf %convert_element_type3A_419 : vector<768x768xf32> to vector<768x768xbf16>
      %convert_element_type3A_429 = arith.truncf %sub3A_423 : vector<768x12xf32> to vector<768x12xbf16>
      %dot_general3A_430 = arith.constant dense<0.000000e+00> : vector<768x12xf32>
      %dot_general3A_431 = tpu.matmul %convert_element_type3A_428, %convert_element_type3A_429, %dot_general3A_430 {dimension_numbers = #tpu.dot_dimension_numbers<[1], [0], [0], [1], [0, 0, 1, 1], [], []>, transpose_lhs_hint = false} : vector<768x768xbf16>, vector<768x12xbf16>, vector<768x12xf32> -> vector<768x12xf32>
      %convert_element_type3A_432 = arith.truncf %sub3A_420 : vector<768x768xf32> to vector<768x768xbf16>
      %convert_element_type3A_433 = arith.truncf %convert_element_type3A_422 : vector<768x12xf32> to vector<768x12xbf16>
      %dot_general3A_434 = arith.constant dense<0.000000e+00> : vector<768x12xf32>
      %dot_general3A_435 = tpu.matmul %convert_element_type3A_432, %convert_element_type3A_433, %dot_general3A_434 {dimension_numbers = #tpu.dot_dimension_numbers<[1], [0], [0], [1], [0, 0, 1, 1], [], []>, transpose_lhs_hint = false} : vector<768x768xbf16>, vector<768x12xbf16>, vector<768x12xf32> -> vector<768x12xf32>
      %add3A_436 = arith.addf %dot_general3A_431, %dot_general3A_435 : vector<768x12xf32>
      %add3A_437 = arith.addf %dot_general3A_427, %add3A_436 : vector<768x12xf32>
      %get3A_438 = arith.constant 0 : index
      %get3A_439 = arith.constant 0 : index
      %get3A_440 = vector.load %arg9[%get3A_438, %get3A_439] : memref<768x1xf32, #tpu.memory_space<vmem>>, vector<768x1xf32>
      %mul3A_441 = vector.broadcast %get3A_440 : vector<768x1xf32> to vector<768x12xf32>
      %mul3A_442 = arith.mulf %add3A_437, %mul3A_441 : vector<768x12xf32>
      %convert_element_type3A_443 = arith.truncf %mul3A_442 : vector<768x12xf32> to vector<768x12xbf16>
      %swap3A_444 = arith.constant 0 : index
      %swap3A_445 = arith.constant 0 : index
      %swap3A_446 = vector.load %arg31[%swap3A_444, %swap3A_445] : memref<768x12xbf16, #tpu.memory_space<vmem>>, vector<768x12xbf16>
      tpu.vector_store %arg31[%swap3A_444, %swap3A_445], %convert_element_type3A_443 {strides = array<i32>} : memref<768x12xbf16, #tpu.memory_space<vmem>>, vector<768x12xbf16>,
      %convert_element_type3A_447 = arith.extf %convert_element_type3A_443 : vector<768x12xbf16> to vector<768x12xf32>
      %sub3A_448 = arith.subf %mul3A_442, %convert_element_type3A_447 : vector<768x12xf32>
      %convert_element_type3A_449 = arith.truncf %sub3A_448 : vector<768x12xf32> to vector<768x12xbf16>
      %swap3A_450 = arith.constant 0 : index
      %swap3A_451 = arith.constant 0 : index
      %swap3A_452 = vector.load %arg32[%swap3A_450, %swap3A_451] : memref<768x12xbf16, #tpu.memory_space<vmem>>, vector<768x12xbf16>
      tpu.vector_store %arg32[%swap3A_450, %swap3A_451], %convert_element_type3A_449 {strides = array<i32>} : memref<768x12xbf16, #tpu.memory_space<vmem>>, vector<768x12xbf16>,
      %get3A_453 = arith.constant 0 : index
      %get3A_454 = arith.constant 0 : index
      %get3A_455 = vector.load %arg8[%get3A_453, %get3A_454] : memref<1x768xf32, #tpu.memory_space<vmem>>, vector<1x768xf32>
      %convert_element_type3A_456 = arith.truncf %get3A_455 : vector<1x768xf32> to vector<1x768xbf16>
      %convert_element_type3A_457 = arith.extf %convert_element_type3A_456 : vector<1x768xbf16> to vector<1x768xf32>
      %sub3A_458 = arith.subf %get3A_455, %convert_element_type3A_457 : vector<1x768xf32>
      %convert_element_type3A_459 = arith.truncf %add3A_437 : vector<768x12xf32> to vector<768x12xbf16>
      %convert_element_type3A_460 = arith.extf %convert_element_type3A_459 : vector<768x12xbf16> to vector<768x12xf32>
      %sub3A_461 = arith.subf %add3A_437, %convert_element_type3A_460 : vector<768x12xf32>
      %convert_element_type3A_462 = arith.truncf %convert_element_type3A_457 : vector<1x768xf32> to vector<1x768xbf16>
      %convert_element_type3A_463 = arith.truncf %convert_element_type3A_460 : vector<768x12xf32> to vector<768x12xbf16>
      %dot_general3A_464 = arith.constant dense<0.000000e+00> : vector<1x12xf32>
      %dot_general3A_465 = tpu.matmul %convert_element_type3A_462, %convert_element_type3A_463, %dot_general3A_464 {dimension_numbers = #tpu.dot_dimension_numbers<[1], [0], [0], [1], [0, 0, 1, 1], [], []>, transpose_lhs_hint = false} : vector<1x768xbf16>, vector<768x12xbf16>, vector<1x12xf32> -> vector<1x12xf32>
      %convert_element_type3A_466 = arith.truncf %convert_element_type3A_457 : vector<1x768xf32> to vector<1x768xbf16>
      %convert_element_type3A_467 = arith.truncf %sub3A_461 : vector<768x12xf32> to vector<768x12xbf16>
      %dot_general3A_468 = arith.constant dense<0.000000e+00> : vector<1x12xf32>
      %dot_general3A_469 = tpu.matmul %convert_element_type3A_466, %convert_element_type3A_467, %dot_general3A_468 {dimension_numbers = #tpu.dot_dimension_numbers<[1], [0], [0], [1], [0, 0, 1, 1], [], []>, transpose_lhs_hint = false} : vector<1x768xbf16>, vector<768x12xbf16>, vector<1x12xf32> -> vector<1x12xf32>
      %convert_element_type3A_470 = arith.truncf %sub3A_458 : vector<1x768xf32> to vector<1x768xbf16>
      %convert_element_type3A_471 = arith.truncf %convert_element_type3A_460 : vector<768x12xf32> to vector<768x12xbf16>
      %dot_general3A_472 = arith.constant dense<0.000000e+00> : vector<1x12xf32>
      %dot_general3A_473 = tpu.matmul %convert_element_type3A_470, %convert_element_type3A_471, %dot_general3A_472 {dimension_numbers = #tpu.dot_dimension_numbers<[1], [0], [0], [1], [0, 0, 1, 1], [], []>, transpose_lhs_hint = false} : vector<1x768xbf16>, vector<768x12xbf16>, vector<1x12xf32> -> vector<1x12xf32>
      %add3A_474 = arith.addf %dot_general3A_469, %dot_general3A_473 : vector<1x12xf32>
      %add3A_475 = arith.addf %dot_general3A_465, %add3A_474 : vector<1x12xf32>
      %swap3A_476 = arith.constant 0 : index
      %swap3A_477 = arith.constant 0 : index
      %swap3A_478 = vector.load %arg33[%swap3A_476, %swap3A_477] : memref<1x12xf32, #tpu.memory_space<vmem>>, vector<1x12xf32>
      tpu.vector_store %arg33[%swap3A_476, %swap3A_477], %add3A_475 {strides = array<i32>} : memref<1x12xf32, #tpu.memory_space<vmem>>, vector<1x12xf32>,
    } else {
    }
    %get3A = arith.constant 0 : index
    %get3A_2 = arith.constant 0 : index
    %get3A_3 = arith.constant 0 : index
    %get3A_4 = vector.load %arg1[%get3A, %get3A_2, %get3A_3] : memref<1x256x768xf32, #tpu.memory_space<vmem>>, vector<1x256x768xf32>
    %get3A_5 = vector.shape_cast %get3A_4 : vector<1x256x768xf32> to vector<256x768xf32>
    %reduce_sum3A = arith.constant dense<0.000000e+00> : vector<256xf32>
    %reduce_sum3A_6 = vector.multi_reduction <add>, %get3A_5, %reduce_sum3A [1] : vector<256x768xf32> to vector<256xf32>
    %broadcast_in_dim3A = vector.shape_cast %reduce_sum3A_6 : vector<256xf32> to vector<256x1xf32>
    %div3A = arith.constant 7.680000e+02 : f32
    %div3A_7 = vector.broadcast %div3A : f32 to vector<256x1xf32>
    %div3A_8 = arith.divf %broadcast_in_dim3A, %div3A_7 : vector<256x1xf32>
    %sub3A = vector.broadcast %div3A_8 : vector<256x1xf32> to vector<256x768xf32>
    %sub3A_9 = arith.subf %get3A_5, %sub3A : vector<256x768xf32>
    %mul3A = arith.mulf %sub3A_9, %sub3A_9 : vector<256x768xf32>
    %reduce_sum3A_10 = arith.constant dense<0.000000e+00> : vector<256xf32>
    %reduce_sum3A_11 = vector.multi_reduction <add>, %mul3A, %reduce_sum3A_10 [1] : vector<256x768xf32> to vector<256xf32>
    %broadcast_in_dim3A_12 = vector.shape_cast %reduce_sum3A_11 : vector<256xf32> to vector<256x1xf32>
    %div3A_13 = arith.constant 7.680000e+02 : f32
    %div3A_14 = vector.broadcast %div3A_13 : f32 to vector<256x1xf32>
    %div3A_15 = arith.divf %broadcast_in_dim3A_12, %div3A_14 : vector<256x1xf32>
    %add3A = arith.constant 9.99999974E-6 : f32
    %add3A_16 = vector.broadcast %add3A : f32 to vector<256x1xf32>
    %add3A_17 = arith.addf %div3A_15, %add3A_16 : vector<256x1xf32>
    %sqrt3A = math.sqrt %add3A_17 : vector<256x1xf32>
    %get3A_18 = arith.constant 0 : index
    %get3A_19 = arith.constant 0 : index
    %get3A_20 = vector.load %arg31[%get3A_18, %get3A_19] : memref<768x12xbf16, #tpu.memory_space<vmem>>, vector<768x12xbf16>
    %convert_element_type3A_21 = arith.truncf %sub3A_9 : vector<256x768xf32> to vector<256x768xbf16>
    %dot_general3A = arith.constant dense<0.000000e+00> : vector<256x12xf32>
    %dot_general3A_22 = tpu.matmul %convert_element_type3A_21, %get3A_20, %dot_general3A {dimension_numbers = #tpu.dot_dimension_numbers<[1], [0], [0], [1], [0, 0, 1, 1], [], []>, transpose_lhs_hint = false} : vector<256x768xbf16>, vector<768x12xbf16>, vector<256x12xf32> -> vector<256x12xf32>
    %get3A_23 = arith.constant 0 : index
    %get3A_24 = arith.constant 0 : index
    %get3A_25 = vector.load %arg32[%get3A_23, %get3A_24] : memref<768x12xbf16, #tpu.memory_space<vmem>>, vector<768x12xbf16>
    %convert_element_type3A_26 = arith.truncf %sub3A_9 : vector<256x768xf32> to vector<256x768xbf16>
    %dot_general3A_27 = arith.constant dense<0.000000e+00> : vector<256x12xf32>
    %dot_general3A_28 = tpu.matmul %convert_element_type3A_26, %get3A_25, %dot_general3A_27 {dimension_numbers = #tpu.dot_dimension_numbers<[1], [0], [0], [1], [0, 0, 1, 1], [], []>, transpose_lhs_hint = false} : vector<256x768xbf16>, vector<768x12xbf16>, vector<256x12xf32> -> vector<256x12xf32>
    %add3A_29 = arith.addf %dot_general3A_22, %dot_general3A_28 : vector<256x12xf32>
    %div3A_30 = vector.broadcast %sqrt3A : vector<256x1xf32> to vector<256x12xf32>
    %div3A_31 = arith.divf %add3A_29, %div3A_30 : vector<256x12xf32>
    %get3A_32 = arith.constant 0 : index
    %get3A_33 = arith.constant 0 : index
    %get3A_34 = vector.load %arg33[%get3A_32, %get3A_33] : memref<1x12xf32, #tpu.memory_space<vmem>>, vector<1x12xf32>
    %add3A_35 = vector.broadcast %get3A_34 : vector<1x12xf32> to vector<256x12xf32>
    %add3A_36 = arith.addf %div3A_31, %add3A_35 : vector<256x12xf32>
    %mul3A_37 = arith.constant 1.250000e-01 : f32
    %mul3A_38 = vector.broadcast %mul3A_37 : f32 to vector<256x12xf32>
    %mul3A_39 = arith.mulf %add3A_36, %mul3A_38 : vector<256x12xf32>
    %reduce_max3A = arith.constant dense<0xFF800000> : vector<12xf32>
    %reduce_max3A_40 = vector.multi_reduction <maximumf>, %mul3A_39, %reduce_max3A [0] : vector<256x12xf32> to vector<12xf32>
    %broadcast_in_dim3A_41 = vector.shape_cast %reduce_max3A_40 : vector<12xf32> to vector<1x12xf32>
    %sub3A_42 = vector.broadcast %broadcast_in_dim3A_41 : vector<1x12xf32> to vector<256x12xf32>
    %sub3A_43 = arith.subf %mul3A_39, %sub3A_42 : vector<256x12xf32>
    %exp3A = math.exp %sub3A_43 : vector<256x12xf32>
    %reduce_sum3A_44 = arith.constant dense<0.000000e+00> : vector<12xf32>
    %reduce_sum3A_45 = vector.multi_reduction <add>, %exp3A, %reduce_sum3A_44 [0] : vector<256x12xf32> to vector<12xf32>
    %broadcast_in_dim3A_46 = vector.shape_cast %reduce_sum3A_45 : vector<12xf32> to vector<1x12xf32>
    %div3A_47 = vector.broadcast %broadcast_in_dim3A_46 : vector<1x12xf32> to vector<256x12xf32>
    %div3A_48 = arith.divf %exp3A, %div3A_47 : vector<256x12xf32>
    %div3A_49 = vector.broadcast %sqrt3A : vector<256x1xf32> to vector<256x12xf32>
    %div3A_50 = arith.divf %div3A_48, %div3A_49 : vector<256x12xf32>
    %convert_element_type3A_51 = arith.truncf %div3A_50 : vector<256x12xf32> to vector<256x12xbf16>
    %convert_element_type3A_52 = arith.extf %convert_element_type3A_51 : vector<256x12xbf16> to vector<256x12xf32>
    %sub3A_53 = arith.subf %div3A_50, %convert_element_type3A_52 : vector<256x12xf32>
    %convert_element_type3A_54 = arith.truncf %sub3A_9 : vector<256x768xf32> to vector<256x768xbf16>
    %convert_element_type3A_55 = arith.extf %convert_element_type3A_54 : vector<256x768xbf16> to vector<256x768xf32>
    %sub3A_56 = arith.subf %sub3A_9, %convert_element_type3A_55 : vector<256x768xf32>
    %convert_element_type3A_57 = arith.truncf %convert_element_type3A_52 : vector<256x12xf32> to vector<256x12xbf16>
    %convert_element_type3A_58 = arith.truncf %convert_element_type3A_55 : vector<256x768xf32> to vector<256x768xbf16>
    %dot_general3A_59 = arith.constant dense<0.000000e+00> : vector<12x768xf32>
    %dot_general3A_60 = tpu.matmul %convert_element_type3A_57, %convert_element_type3A_58, %dot_general3A_59 {dimension_numbers = #tpu.dot_dimension_numbers<[0], [0], [1], [1], [0, 1, 1, 1], [], []>, transpose_lhs_hint = false} : vector<256x12xbf16>, vector<256x768xbf16>, vector<12x768xf32> -> vector<12x768xf32>
    %convert_element_type3A_61 = arith.truncf %convert_element_type3A_52 : vector<256x12xf32> to vector<256x12xbf16>
    %convert_element_type3A_62 = arith.truncf %sub3A_56 : vector<256x768xf32> to vector<256x768xbf16>
    %dot_general3A_63 = arith.constant dense<0.000000e+00> : vector<12x768xf32>
    %dot_general3A_64 = tpu.matmul %convert_element_type3A_61, %convert_element_type3A_62, %dot_general3A_63 {dimension_numbers = #tpu.dot_dimension_numbers<[0], [0], [1], [1], [0, 1, 1, 1], [], []>, transpose_lhs_hint = false} : vector<256x12xbf16>, vector<256x768xbf16>, vector<12x768xf32> -> vector<12x768xf32>
    %convert_element_type3A_65 = arith.truncf %sub3A_53 : vector<256x12xf32> to vector<256x12xbf16>
    %convert_element_type3A_66 = arith.truncf %convert_element_type3A_55 : vector<256x768xf32> to vector<256x768xbf16>
    %dot_general3A_67 = arith.constant dense<0.000000e+00> : vector<12x768xf32>
    %dot_general3A_68 = tpu.matmul %convert_element_type3A_65, %convert_element_type3A_66, %dot_general3A_67 {dimension_numbers = #tpu.dot_dimension_numbers<[0], [0], [1], [1], [0, 1, 1, 1], [], []>, transpose_lhs_hint = false} : vector<256x12xbf16>, vector<256x768xbf16>, vector<12x768xf32> -> vector<12x768xf32>
    %add3A_69 = arith.addf %dot_general3A_64, %dot_general3A_68 : vector<12x768xf32>
    %add3A_70 = arith.addf %dot_general3A_60, %add3A_69 : vector<12x768xf32>
    %get3A_71 = arith.constant 0 : index
    %get3A_72 = arith.constant 0 : index
    %get3A_73 = vector.load %arg7[%get3A_71, %get3A_72] : memref<1x768xf32, #tpu.memory_space<vmem>>, vector<1x768xf32>
    %mul3A_74 = vector.broadcast %get3A_73 : vector<1x768xf32> to vector<12x768xf32>
    %mul3A_75 = arith.mulf %mul3A_74, %add3A_70 : vector<12x768xf32>
    %get3A_76 = arith.constant 0 : index
    %get3A_77 = arith.constant 0 : index
    %get3A_78 = vector.load %arg8[%get3A_76, %get3A_77] : memref<1x768xf32, #tpu.memory_space<vmem>>, vector<1x768xf32>
    %add3A_79 = vector.broadcast %get3A_78 : vector<1x768xf32> to vector<12x768xf32>
    %add3A_80 = arith.addf %mul3A_75, %add3A_79 : vector<12x768xf32>
    %get3A_81 = arith.constant 0 : index
    %get3A_82 = arith.constant 0 : index
    %get3A_83 = vector.load %arg11[%get3A_81, %get3A_82] : memref<768x768xbf16, #tpu.memory_space<vmem>>, vector<768x768xbf16>
    %get3A_84 = arith.constant 0 : index
    %get3A_85 = arith.constant 0 : index
    %get3A_86 = vector.load %arg12[%get3A_84, %get3A_85] : memref<768x768xbf16, #tpu.memory_space<vmem>>, vector<768x768xbf16>
    %convert_element_type3A_87 = arith.truncf %add3A_80 : vector<12x768xf32> to vector<12x768xbf16>
    %convert_element_type3A_88 = arith.extf %convert_element_type3A_87 : vector<12x768xbf16> to vector<12x768xf32>
    %sub3A_89 = arith.subf %add3A_80, %convert_element_type3A_88 : vector<12x768xf32>
    %convert_element_type3A_90 = arith.truncf %convert_element_type3A_88 : vector<12x768xf32> to vector<12x768xbf16>
    %dot_general3A_91 = arith.constant dense<0.000000e+00> : vector<12x768xf32>
    %dot_general3A_92 = tpu.matmul %convert_element_type3A_90, %get3A_83, %dot_general3A_91 {dimension_numbers = #tpu.dot_dimension_numbers<[1], [0], [0], [1], [0, 0, 1, 1], [], []>, transpose_lhs_hint = false} : vector<12x768xbf16>, vector<768x768xbf16>, vector<12x768xf32> -> vector<12x768xf32>
    %convert_element_type3A_93 = arith.truncf %convert_element_type3A_88 : vector<12x768xf32> to vector<12x768xbf16>
    %dot_general3A_94 = arith.constant dense<0.000000e+00> : vector<12x768xf32>
    %dot_general3A_95 = tpu.matmul %convert_element_type3A_93, %get3A_86, %dot_general3A_94 {dimension_numbers = #tpu.dot_dimension_numbers<[1], [0], [0], [1], [0, 0, 1, 1], [], []>, transpose_lhs_hint = false} : vector<12x768xbf16>, vector<768x768xbf16>, vector<12x768xf32> -> vector<12x768xf32>
    %convert_element_type3A_96 = arith.truncf %sub3A_89 : vector<12x768xf32> to vector<12x768xbf16>
    %dot_general3A_97 = arith.constant dense<0.000000e+00> : vector<12x768xf32>
    %dot_general3A_98 = tpu.matmul %convert_element_type3A_96, %get3A_83, %dot_general3A_97 {dimension_numbers = #tpu.dot_dimension_numbers<[1], [0], [0], [1], [0, 0, 1, 1], [], []>, transpose_lhs_hint = false} : vector<12x768xbf16>, vector<768x768xbf16>, vector<12x768xf32> -> vector<12x768xf32>
    %add3A_99 = arith.addf %dot_general3A_95, %dot_general3A_98 : vector<12x768xf32>
    %add3A_100 = arith.addf %dot_general3A_92, %add3A_99 : vector<12x768xf32>
    %iota3A = tpu.iota {dimensions = array<i32: 0>} : vector<12x768xi32>
    %iota3A_101 = tpu.iota {dimensions = array<i32: 1>} : vector<12x768xi32>
    %jit3A = arith.constant 64 : i32
    %div3A_102 = vector.broadcast %jit3A : i32 to vector<12x768xi32>
    %div3A_103 = arith.divsi %iota3A_101, %div3A_102 : vector<12x768xi32>
    %sign3A = arith.constant 0 : i32
    %sign3A_104 = vector.broadcast %sign3A : i32 to vector<12x768xi32>
    %sign3A_105 = arith.cmpi sgt, %iota3A_101, %sign3A_104 : vector<12x768xi32>
    %sign3A_106 = arith.extui %sign3A_105 : vector<12x768xi1> to vector<12x768xi32>
    %sign3A_107 = arith.constant 0 : i32
    %sign3A_108 = vector.broadcast %sign3A_107 : i32 to vector<12x768xi32>
    %sign3A_109 = arith.cmpi slt, %iota3A_101, %sign3A_108 : vector<12x768xi32>
    %sign3A_110 = arith.extui %sign3A_109 : vector<12x768xi1> to vector<12x768xi32>
    %sign3A_111 = arith.subi %sign3A_106, %sign3A_110 : vector<12x768xi32>
    %sign3A_112 = arith.constant 0 : i32
    %sign3A_113 = arith.cmpi sgt, %jit3A, %sign3A_112 : i32
    %sign3A_114 = arith.extui %sign3A_113 : i1 to i32
    %sign3A_115 = arith.constant 0 : i32
    %sign3A_116 = arith.cmpi slt, %jit3A, %sign3A_115 : i32
    %sign3A_117 = arith.extui %sign3A_116 : i1 to i32
    %sign3A_118 = arith.subi %sign3A_114, %sign3A_117 : i32
    %ne3A = vector.broadcast %sign3A_118 : i32 to vector<12x768xi32>
    %ne3A_119 = arith.cmpi ne, %sign3A_111, %ne3A : vector<12x768xi32>
    %rem3A = vector.broadcast %jit3A : i32 to vector<12x768xi32>
    %rem3A_120 = arith.remsi %iota3A_101, %rem3A : vector<12x768xi32>
    %ne3A_121 = arith.constant 0 : i32
    %ne3A_122 = vector.broadcast %ne3A_121 : i32 to vector<12x768xi32>
    %ne3A_123 = arith.cmpi ne, %rem3A_120, %ne3A_122 : vector<12x768xi32>
    %and3A = arith.andi %ne3A_119, %ne3A_123 : vector<12x768xi1>
    %sub3A_124 = arith.constant 1 : i32
    %sub3A_125 = vector.broadcast %sub3A_124 : i32 to vector<12x768xi32>
    %sub3A_126 = arith.subi %div3A_103, %sub3A_125 : vector<12x768xi32>
    %select_n3A = arith.select %and3A, %sub3A_126, %div3A_103 : vector<12x768xi1>, vector<12x768xi32>
    %eq3A_127 = arith.cmpi eq, %iota3A, %select_n3A : vector<12x768xi32>
    %convert_element_type3A_128 = arith.extui %eq3A_127 : vector<12x768xi1> to vector<12x768xi32>
    %convert_element_type3A_129 = arith.sitofp %convert_element_type3A_128 : vector<12x768xi32> to vector<12x768xf32>
    %mul3A_130 = arith.mulf %add3A_100, %convert_element_type3A_129 : vector<12x768xf32>
    %reduce_sum3A_131 = arith.constant dense<0.000000e+00> : vector<768xf32>
    %reduce_sum3A_132 = vector.multi_reduction <add>, %mul3A_130, %reduce_sum3A_131 [0] : vector<12x768xf32> to vector<768xf32>
    %broadcast_in_dim3A_133 = vector.shape_cast %reduce_sum3A_132 : vector<768xf32> to vector<1x768xf32>
    %get3A_134 = arith.constant 0 : index
    %get3A_135 = arith.constant 0 : index
    %get3A_136 = vector.load %arg13[%get3A_134, %get3A_135] : memref<1x768xf32, #tpu.memory_space<vmem>>, vector<1x768xf32>
    %add3A_137 = arith.addf %broadcast_in_dim3A_133, %get3A_136 : vector<1x768xf32>
    %get3A_138 = arith.constant 0 : index
    %get3A_139 = arith.constant 0 : index
    %get3A_140 = vector.load %arg2[%get3A_138, %get3A_139] : memref<1x768xf32, #tpu.memory_space<vmem>>, vector<1x768xf32>
    %get3A_141 = arith.constant 0 : index
    %get3A_142 = arith.constant 0 : index
    %get3A_143 = vector.load %arg14[%get3A_141, %get3A_142] : memref<768x768xbf16, #tpu.memory_space<vmem>>, vector<768x768xbf16>
    %get3A_144 = arith.constant 0 : index
    %get3A_145 = arith.constant 0 : index
    %get3A_146 = vector.load %arg15[%get3A_144, %get3A_145] : memref<768x768xbf16, #tpu.memory_space<vmem>>, vector<768x768xbf16>
    %convert_element_type3A_147 = arith.truncf %add3A_137 : vector<1x768xf32> to vector<1x768xbf16>
    %convert_element_type3A_148 = arith.extf %convert_element_type3A_147 : vector<1x768xbf16> to vector<1x768xf32>
    %sub3A_149 = arith.subf %add3A_137, %convert_element_type3A_148 : vector<1x768xf32>
    %convert_element_type3A_150 = arith.truncf %convert_element_type3A_148 : vector<1x768xf32> to vector<1x768xbf16>
    %dot_general3A_151 = arith.constant dense<0.000000e+00> : vector<1x768xf32>
    %dot_general3A_152 = tpu.matmul %convert_element_type3A_150, %get3A_143, %dot_general3A_151 {dimension_numbers = #tpu.dot_dimension_numbers<[1], [0], [0], [1], [0, 0, 1, 1], [], []>, transpose_lhs_hint = false} : vector<1x768xbf16>, vector<768x768xbf16>, vector<1x768xf32> -> vector<1x768xf32>
    %convert_element_type3A_153 = arith.truncf %convert_element_type3A_148 : vector<1x768xf32> to vector<1x768xbf16>
    %dot_general3A_154 = arith.constant dense<0.000000e+00> : vector<1x768xf32>
    %dot_general3A_155 = tpu.matmul %convert_element_type3A_153, %get3A_146, %dot_general3A_154 {dimension_numbers = #tpu.dot_dimension_numbers<[1], [0], [0], [1], [0, 0, 1, 1], [], []>, transpose_lhs_hint = false} : vector<1x768xbf16>, vector<768x768xbf16>, vector<1x768xf32> -> vector<1x768xf32>
    %convert_element_type3A_156 = arith.truncf %sub3A_149 : vector<1x768xf32> to vector<1x768xbf16>
    %dot_general3A_157 = arith.constant dense<0.000000e+00> : vector<1x768xf32>
    %dot_general3A_158 = tpu.matmul %convert_element_type3A_156, %get3A_143, %dot_general3A_157 {dimension_numbers = #tpu.dot_dimension_numbers<[1], [0], [0], [1], [0, 0, 1, 1], [], []>, transpose_lhs_hint = false} : vector<1x768xbf16>, vector<768x768xbf16>, vector<1x768xf32> -> vector<1x768xf32>
    %add3A_159 = arith.addf %dot_general3A_155, %dot_general3A_158 : vector<1x768xf32>
    %add3A_160 = arith.addf %dot_general3A_152, %add3A_159 : vector<1x768xf32>
    %add3A_161 = arith.addf %get3A_140, %add3A_160 : vector<1x768xf32>
    %get3A_162 = arith.constant 0 : index
    %get3A_163 = arith.constant 0 : index
    %get3A_164 = vector.load %arg16[%get3A_162, %get3A_163] : memref<1x768xf32, #tpu.memory_space<vmem>>, vector<1x768xf32>
    %add3A_165 = arith.addf %add3A_161, %get3A_164 : vector<1x768xf32>
    %reduce_sum3A_166 = arith.constant dense<0.000000e+00> : vector<1xf32>
    %reduce_sum3A_167 = vector.multi_reduction <add>, %add3A_165, %reduce_sum3A_166 [1] : vector<1x768xf32> to vector<1xf32>
    %broadcast_in_dim3A_168 = vector.shape_cast %reduce_sum3A_167 : vector<1xf32> to vector<1x1xf32>
    %div3A_169 = arith.constant 7.680000e+02 : f32
    %div3A_170 = vector.broadcast %div3A_169 : f32 to vector<1x1xf32>
    %div3A_171 = arith.divf %broadcast_in_dim3A_168, %div3A_170 : vector<1x1xf32>
    %sub3A_172 = vector.broadcast %div3A_171 : vector<1x1xf32> to vector<1x768xf32>
    %sub3A_173 = arith.subf %add3A_165, %sub3A_172 : vector<1x768xf32>
    %integer_pow3A = arith.mulf %sub3A_173, %sub3A_173 : vector<1x768xf32>
    %reduce_sum3A_174 = arith.constant dense<0.000000e+00> : vector<1xf32>
    %reduce_sum3A_175 = vector.multi_reduction <add>, %integer_pow3A, %reduce_sum3A_174 [1] : vector<1x768xf32> to vector<1xf32>
    %broadcast_in_dim3A_176 = vector.shape_cast %reduce_sum3A_175 : vector<1xf32> to vector<1x1xf32>
    %div3A_177 = arith.constant 7.680000e+02 : f32
    %div3A_178 = vector.broadcast %div3A_177 : f32 to vector<1x1xf32>
    %div3A_179 = arith.divf %broadcast_in_dim3A_176, %div3A_178 : vector<1x1xf32>
    %sub3A_180 = vector.broadcast %div3A_171 : vector<1x1xf32> to vector<1x768xf32>
    %sub3A_181 = arith.subf %add3A_165, %sub3A_180 : vector<1x768xf32>
    %add3A_182 = arith.constant 9.99999974E-6 : f32
    %add3A_183 = vector.broadcast %add3A_182 : f32 to vector<1x1xf32>
    %add3A_184 = arith.addf %div3A_179, %add3A_183 : vector<1x1xf32>
    %sqrt3A_185 = math.sqrt %add3A_184 : vector<1x1xf32>
    %div3A_186 = vector.broadcast %sqrt3A_185 : vector<1x1xf32> to vector<1x768xf32>
    %div3A_187 = arith.divf %sub3A_181, %div3A_186 : vector<1x768xf32>
    %get3A_188 = arith.constant 0 : index
    %get3A_189 = arith.constant 0 : index
    %get3A_190 = vector.load %arg17[%get3A_188, %get3A_189] : memref<1x768xf32, #tpu.memory_space<vmem>>, vector<1x768xf32>
    %mul3A_191 = arith.mulf %div3A_187, %get3A_190 : vector<1x768xf32>
    %get3A_192 = arith.constant 0 : index
    %get3A_193 = arith.constant 0 : index
    %get3A_194 = vector.load %arg18[%get3A_192, %get3A_193] : memref<1x768xf32, #tpu.memory_space<vmem>>, vector<1x768xf32>
    %add3A_195 = arith.addf %mul3A_191, %get3A_194 : vector<1x768xf32>
    %get3A_196 = arith.constant 0 : index
    %get3A_197 = arith.constant 0 : index
    %get3A_198 = vector.load %arg19[%get3A_196, %get3A_197] : memref<768x3072xbf16, #tpu.memory_space<vmem>>, vector<768x3072xbf16>
    %get3A_199 = arith.constant 0 : index
    %get3A_200 = arith.constant 0 : index
    %get3A_201 = vector.load %arg20[%get3A_199, %get3A_200] : memref<768x3072xbf16, #tpu.memory_space<vmem>>, vector<768x3072xbf16>
    %convert_element_type3A_202 = arith.truncf %add3A_195 : vector<1x768xf32> to vector<1x768xbf16>
    %convert_element_type3A_203 = arith.extf %convert_element_type3A_202 : vector<1x768xbf16> to vector<1x768xf32>
    %sub3A_204 = arith.subf %add3A_195, %convert_element_type3A_203 : vector<1x768xf32>
    %convert_element_type3A_205 = arith.truncf %convert_element_type3A_203 : vector<1x768xf32> to vector<1x768xbf16>
    %dot_general3A_206 = arith.constant dense<0.000000e+00> : vector<1x3072xf32>
    %dot_general3A_207 = tpu.matmul %convert_element_type3A_205, %get3A_198, %dot_general3A_206 {dimension_numbers = #tpu.dot_dimension_numbers<[1], [0], [0], [1], [0, 0, 1, 1], [], []>, transpose_lhs_hint = false} : vector<1x768xbf16>, vector<768x3072xbf16>, vector<1x3072xf32> -> vector<1x3072xf32>
    %convert_element_type3A_208 = arith.truncf %convert_element_type3A_203 : vector<1x768xf32> to vector<1x768xbf16>
    %dot_general3A_209 = arith.constant dense<0.000000e+00> : vector<1x3072xf32>
    %dot_general3A_210 = tpu.matmul %convert_element_type3A_208, %get3A_201, %dot_general3A_209 {dimension_numbers = #tpu.dot_dimension_numbers<[1], [0], [0], [1], [0, 0, 1, 1], [], []>, transpose_lhs_hint = false} : vector<1x768xbf16>, vector<768x3072xbf16>, vector<1x3072xf32> -> vector<1x3072xf32>
    %convert_element_type3A_211 = arith.truncf %sub3A_204 : vector<1x768xf32> to vector<1x768xbf16>
    %dot_general3A_212 = arith.constant dense<0.000000e+00> : vector<1x3072xf32>
    %dot_general3A_213 = tpu.matmul %convert_element_type3A_211, %get3A_198, %dot_general3A_212 {dimension_numbers = #tpu.dot_dimension_numbers<[1], [0], [0], [1], [0, 0, 1, 1], [], []>, transpose_lhs_hint = false} : vector<1x768xbf16>, vector<768x3072xbf16>, vector<1x3072xf32> -> vector<1x3072xf32>
    %add3A_214 = arith.addf %dot_general3A_210, %dot_general3A_213 : vector<1x3072xf32>
    %add3A_215 = arith.addf %dot_general3A_207, %add3A_214 : vector<1x3072xf32>
    %get3A_216 = arith.constant 0 : index
    %get3A_217 = arith.constant 0 : index
    %get3A_218 = vector.load %arg21[%get3A_216, %get3A_217] : memref<1x3072xf32, #tpu.memory_space<vmem>>, vector<1x3072xf32>
    %add3A_219 = arith.addf %add3A_215, %get3A_218 : vector<1x3072xf32>
    %mul3A_220 = arith.constant -1.702000e+00 : f32
    %mul3A_221 = vector.broadcast %mul3A_220 : f32 to vector<1x3072xf32>
    %mul3A_222 = arith.mulf %mul3A_221, %add3A_219 : vector<1x3072xf32>
    %exp3A_223 = math.exp %mul3A_222 : vector<1x3072xf32>
    %add3A_224 = arith.constant 1.000000e+00 : f32
    %add3A_225 = vector.broadcast %add3A_224 : f32 to vector<1x3072xf32>
    %add3A_226 = arith.addf %add3A_225, %exp3A_223 : vector<1x3072xf32>
    %div3A_227 = arith.constant 1.000000e+00 : f32
    %div3A_228 = vector.broadcast %div3A_227 : f32 to vector<1x3072xf32>
    %div3A_229 = arith.divf %div3A_228, %add3A_226 : vector<1x3072xf32>
    %mul3A_230 = arith.mulf %add3A_219, %div3A_229 : vector<1x3072xf32>
    %get3A_231 = arith.constant 0 : index
    %get3A_232 = arith.constant 0 : index
    %get3A_233 = vector.load %arg22[%get3A_231, %get3A_232] : memref<3072x768xbf16, #tpu.memory_space<vmem>>, vector<3072x768xbf16>
    %get3A_234 = arith.constant 0 : index
    %get3A_235 = arith.constant 0 : index
    %get3A_236 = vector.load %arg23[%get3A_234, %get3A_235] : memref<3072x768xbf16, #tpu.memory_space<vmem>>, vector<3072x768xbf16>
    %convert_element_type3A_237 = arith.truncf %mul3A_230 : vector<1x3072xf32> to vector<1x3072xbf16>
    %convert_element_type3A_238 = arith.extf %convert_element_type3A_237 : vector<1x3072xbf16> to vector<1x3072xf32>
    %sub3A_239 = arith.subf %mul3A_230, %convert_element_type3A_238 : vector<1x3072xf32>
    %convert_element_type3A_240 = arith.truncf %convert_element_type3A_238 : vector<1x3072xf32> to vector<1x3072xbf16>
    %dot_general3A_241 = arith.constant dense<0.000000e+00> : vector<1x768xf32>
    %dot_general3A_242 = tpu.matmul %convert_element_type3A_240, %get3A_233, %dot_general3A_241 {dimension_numbers = #tpu.dot_dimension_numbers<[1], [0], [0], [1], [0, 0, 1, 1], [], []>, transpose_lhs_hint = false} : vector<1x3072xbf16>, vector<3072x768xbf16>, vector<1x768xf32> -> vector<1x768xf32>
    %convert_element_type3A_243 = arith.truncf %convert_element_type3A_238 : vector<1x3072xf32> to vector<1x3072xbf16>
    %dot_general3A_244 = arith.constant dense<0.000000e+00> : vector<1x768xf32>
    %dot_general3A_245 = tpu.matmul %convert_element_type3A_243, %get3A_236, %dot_general3A_244 {dimension_numbers = #tpu.dot_dimension_numbers<[1], [0], [0], [1], [0, 0, 1, 1], [], []>, transpose_lhs_hint = false} : vector<1x3072xbf16>, vector<3072x768xbf16>, vector<1x768xf32> -> vector<1x768xf32>
    %convert_element_type3A_246 = arith.truncf %sub3A_239 : vector<1x3072xf32> to vector<1x3072xbf16>
    %dot_general3A_247 = arith.constant dense<0.000000e+00> : vector<1x768xf32>
    %dot_general3A_248 = tpu.matmul %convert_element_type3A_246, %get3A_233, %dot_general3A_247 {dimension_numbers = #tpu.dot_dimension_numbers<[1], [0], [0], [1], [0, 0, 1, 1], [], []>, transpose_lhs_hint = false} : vector<1x3072xbf16>, vector<3072x768xbf16>, vector<1x768xf32> -> vector<1x768xf32>
    %add3A_249 = arith.addf %dot_general3A_245, %dot_general3A_248 : vector<1x768xf32>
    %add3A_250 = arith.addf %dot_general3A_242, %add3A_249 : vector<1x768xf32>
    %add3A_251 = arith.addf %add3A_165, %add3A_250 : vector<1x768xf32>
    %get3A_252 = arith.constant 0 : index
    %get3A_253 = arith.constant 0 : index
    %get3A_254 = vector.load %arg24[%get3A_252, %get3A_253] : memref<1x768xf32, #tpu.memory_space<vmem>>, vector<1x768xf32>
    %add3A_255 = arith.addf %add3A_251, %get3A_254 : vector<1x768xf32>
    %get3A_256 = arith.constant 0 : index
    %get3A_257 = arith.constant 0 : index
    %get3A_258 = vector.load %arg25[%get3A_256, %get3A_257] : memref<768x10xbf16, #tpu.memory_space<vmem>>, vector<768x10xbf16>
    %get3A_259 = arith.constant 0 : index
    %get3A_260 = arith.constant 0 : index
    %get3A_261 = vector.load %arg26[%get3A_259, %get3A_260] : memref<768x10xbf16, #tpu.memory_space<vmem>>, vector<768x10xbf16>
    %convert_element_type3A_262 = arith.truncf %add3A_255 : vector<1x768xf32> to vector<1x768xbf16>
    %convert_element_type3A_263 = arith.extf %convert_element_type3A_262 : vector<1x768xbf16> to vector<1x768xf32>
    %sub3A_264 = arith.subf %add3A_255, %convert_element_type3A_263 : vector<1x768xf32>
    %convert_element_type3A_265 = arith.truncf %convert_element_type3A_263 : vector<1x768xf32> to vector<1x768xbf16>
    %dot_general3A_266 = arith.constant dense<0.000000e+00> : vector<1x10xf32>
    %dot_general3A_267 = tpu.matmul %convert_element_type3A_265, %get3A_258, %dot_general3A_266 {dimension_numbers = #tpu.dot_dimension_numbers<[1], [0], [0], [1], [0, 0, 1, 1], [], []>, transpose_lhs_hint = false} : vector<1x768xbf16>, vector<768x10xbf16>, vector<1x10xf32> -> vector<1x10xf32>
    %convert_element_type3A_268 = arith.truncf %convert_element_type3A_263 : vector<1x768xf32> to vector<1x768xbf16>
    %dot_general3A_269 = arith.constant dense<0.000000e+00> : vector<1x10xf32>
    %dot_general3A_270 = tpu.matmul %convert_element_type3A_268, %get3A_261, %dot_general3A_269 {dimension_numbers = #tpu.dot_dimension_numbers<[1], [0], [0], [1], [0, 0, 1, 1], [], []>, transpose_lhs_hint = false} : vector<1x768xbf16>, vector<768x10xbf16>, vector<1x10xf32> -> vector<1x10xf32>
    %convert_element_type3A_271 = arith.truncf %sub3A_264 : vector<1x768xf32> to vector<1x768xbf16>
    %dot_general3A_272 = arith.constant dense<0.000000e+00> : vector<1x10xf32>
    %dot_general3A_273 = tpu.matmul %convert_element_type3A_271, %get3A_258, %dot_general3A_272 {dimension_numbers = #tpu.dot_dimension_numbers<[1], [0], [0], [1], [0, 0, 1, 1], [], []>, transpose_lhs_hint = false} : vector<1x768xbf16>, vector<768x10xbf16>, vector<1x10xf32> -> vector<1x10xf32>
    %add3A_274 = arith.addf %dot_general3A_270, %dot_general3A_273 : vector<1x10xf32>
    %add3A_275 = arith.addf %dot_general3A_267, %add3A_274 : vector<1x10xf32>
    %get3A_276 = arith.constant 0 : index
    %get3A_277 = arith.constant 0 : index
    %get3A_278 = vector.load %arg27[%get3A_276, %get3A_277] : memref<1x10xf32, #tpu.memory_space<vmem>>, vector<1x10xf32>
    %add3A_279 = arith.addf %add3A_275, %get3A_278 : vector<1x10xf32>
    %swap3A = arith.constant 0 : index
    %swap3A_280 = arith.constant 0 : index
    %swap3A_281 = arith.constant 0 : index
    %swap3A_282 = vector.load %arg29[%swap3A, %swap3A_280, %swap3A_281] : memref<1x1x10xf32, #tpu.memory_space<vmem>>, vector<1x1x10xf32>
    %swap3A_283 = vector.shape_cast %swap3A_282 : vector<1x1x10xf32> to vector<1x10xf32>
    %swap3A_284 = vector.shape_cast %add3A_279 : vector<1x10xf32> to vector<1x1x10xf32>
    tpu.vector_store %arg29[%swap3A, %swap3A_280, %swap3A_281], %swap3A_284 {strides = array<i32>} : memref<1x1x10xf32, #tpu.memory_space<vmem>>, vector<1x1x10xf32>,
    %reduce_max3A_285 = arith.constant dense<0xFF800000> : vector<1xf32>
    %reduce_max3A_286 = vector.multi_reduction <maximumf>, %add3A_279, %reduce_max3A_285 [1] : vector<1x10xf32> to vector<1xf32>
    %broadcast_in_dim3A_287 = vector.shape_cast %reduce_max3A_286 : vector<1xf32> to vector<1x1xf32>
    %iota3A_288 = tpu.iota {dimensions = array<i32: 1>} : vector<1x10xi32>
    %eq3A_289 = vector.broadcast %broadcast_in_dim3A_287 : vector<1x1xf32> to vector<1x10xf32>
    %eq3A_290 = arith.cmpf oeq, %add3A_279, %eq3A_289 : vector<1x10xf32>
    %jit3A_291 = arith.constant 10 : i32
    %broadcast_in_dim3A_292 = vector.broadcast %jit3A_291 : i32 to vector<1x10xi32>
    %select_n3A_293 = arith.select %eq3A_290, %iota3A_288, %broadcast_in_dim3A_292 : vector<1x10xi1>, vector<1x10xi32>
    %reduce_min3A = arith.constant dense<2147483647> : vector<1xi32>
    %reduce_min3A_294 = vector.multi_reduction <minsi>, %select_n3A_293, %reduce_min3A [1] : vector<1x10xi32> to vector<1xi32>
    %broadcast_in_dim3A_295 = vector.shape_cast %reduce_min3A_294 : vector<1xi32> to vector<1x1xi32>
    %iota3A_296 = tpu.iota {dimensions = array<i32: 0>} : vector<10x1xi32>
    %broadcast_in_dim3A_297 = vector.shape_cast %broadcast_in_dim3A_295 : vector<1x1xi32> to vector<1x1xi32>
    %broadcast_in_dim3A_298 = vector.broadcast %broadcast_in_dim3A_297 : vector<1x1xi32> to vector<10x1xi32>
    %eq3A_299 = arith.cmpi eq, %iota3A_296, %broadcast_in_dim3A_298 : vector<10x1xi32>
    %convert_element_type3A_300 = arith.extui %eq3A_299 : vector<10x1xi1> to vector<10x1xi32>
    %convert_element_type3A_301 = arith.sitofp %convert_element_type3A_300 : vector<10x1xi32> to vector<10x1xf32>
    %get3A_302 = arith.constant 0 : index
    %get3A_303 = arith.constant 0 : index
    %get3A_304 = vector.load %arg28[%get3A_302, %get3A_303] : memref<10x1024xf32, #tpu.memory_space<vmem>>, vector<10x1024xf32>
    %mul3A_305 = vector.broadcast %convert_element_type3A_301 : vector<10x1xf32> to vector<10x1024xf32>
    %mul3A_306 = arith.mulf %get3A_304, %mul3A_305 : vector<10x1024xf32>
    %reduce_sum3A_307 = arith.constant dense<0.000000e+00> : vector<1024xf32>
    %reduce_sum3A_308 = vector.multi_reduction <add>, %mul3A_306, %reduce_sum3A_307 [0] : vector<10x1024xf32> to vector<1024xf32>
    %broadcast_in_dim3A_309 = vector.shape_cast %reduce_sum3A_308 : vector<1024xf32> to vector<1x1024xf32>
    %swap3A_310 = arith.constant 0 : index
    %swap3A_311 = arith.constant 0 : index
    %swap3A_312 = arith.constant 0 : index
    %swap3A_313 = vector.load %arg30[%swap3A_310, %swap3A_311, %swap3A_312] : memref<1x1x1024xf32, #tpu.memory_space<vmem>>, vector<1x1x1024xf32>
    %swap3A_314 = vector.shape_cast %swap3A_313 : vector<1x1x1024xf32> to vector<1x1024xf32>
    %swap3A_315 = vector.shape_cast %broadcast_in_dim3A_309 : vector<1x1024xf32> to vector<1x1x1024xf32>
    tpu.vector_store %arg30[%swap3A_310, %swap3A_311, %swap3A_312], %swap3A_315 {strides = array<i32>} : memref<1x1x1024xf32, #tpu.memory_space<vmem>>, vector<1x1x1024xf32>,
    return
  }
  func.func @transform_0(%arg0: i32) -> (i32, i32, i32) {
    %c0_i32 = arith.constant 0 : i32
    %c0_i32_0 = arith.constant 0 : i32
    %c0_i32_1 = arith.constant 0 : i32
    return %arg0, %c0_i32, %c0_i32_0 : i32, i32, i32
  }
  func.func @transform_1(%arg0: i32) -> (i32, i32) {
    %c0_i32 = arith.constant 0 : i32
    %c0_i32_0 = arith.constant 0 : i32
    %c0_i32_1 = arith.constant 0 : i32
    return %c0_i32, %c0_i32_0 : i32, i32
  }
  func.func @transform_2(%arg0: i32) -> (i32, i32) {
    %c0_i32 = arith.constant 0 : i32
    %c0_i32_0 = arith.constant 0 : i32
    %c0_i32_1 = arith.constant 0 : i32
    return %c0_i32, %c0_i32_0 : i32, i32
  }
  func.func @transform_3(%arg0: i32) -> (i32, i32) {
    %c0_i32 = arith.constant 0 : i32
    %c0_i32_0 = arith.constant 0 : i32
    %c0_i32_1 = arith.constant 0 : i32
    return %c0_i32, %c0_i32_0 : i32, i32
  }
  func.func @transform_4(%arg0: i32) -> (i32, i32) {
    %c0_i32 = arith.constant 0 : i32
    %c0_i32_0 = arith.constant 0 : i32
    %c0_i32_1 = arith.constant 0 : i32
    return %c0_i32, %c0_i32_0 : i32, i32
  }
  func.func @transform_5(%arg0: i32) -> (i32, i32) {
    %c0_i32 = arith.constant 0 : i32
    %c0_i32_0 = arith.constant 0 : i32
    %c0_i32_1 = arith.constant 0 : i32
    return %c0_i32, %c0_i32_0 : i32, i32
  }
  func.func @transform_6(%arg0: i32) -> (i32, i32) {
    %c0_i32 = arith.constant 0 : i32
    %c0_i32_0 = arith.constant 0 : i32
    %c0_i32_1 = arith.constant 0 : i32
    return %c0_i32, %c0_i32_0 : i32, i32
  }
  func.func @transform_7(%arg0: i32) -> (i32, i32) {
    %c0_i32 = arith.constant 0 : i32
    %c0_i32_0 = arith.constant 0 : i32
    %c0_i32_1 = arith.constant 0 : i32
    return %c0_i32, %c0_i32_0 : i32, i32
  }
  func.func @transform_8(%arg0: i32) -> (i32, i32) {
    %c0_i32 = arith.constant 0 : i32
    %c0_i32_0 = arith.constant 0 : i32
    %c0_i32_1 = arith.constant 0 : i32
    return %c0_i32, %c0_i32_0 : i32, i32
  }
  func.func @transform_9(%arg0: i32) -> (i32, i32) {
    %c0_i32 = arith.constant 0 : i32
    %c0_i32_0 = arith.constant 0 : i32
    %c0_i32_1 = arith.constant 0 : i32
    return %c0_i32, %c0_i32_0 : i32, i32
  }
  func.func @transform_10(%arg0: i32) -> (i32, i32) {
    %c0_i32 = arith.constant 0 : i32
    %c0_i32_0 = arith.constant 0 : i32
    %c0_i32_1 = arith.constant 0 : i32
    return %c0_i32, %c0_i32_0 : i32, i32
  }
  func.func @transform_11(%arg0: i32) -> (i32, i32) {
    %c0_i32 = arith.constant 0 : i32
    %c0_i32_0 = arith.constant 0 : i32
    %c0_i32_1 = arith.constant 0 : i32
    return %c0_i32, %c0_i32_0 : i32, i32
  }
  func.func @transform_12(%arg0: i32) -> (i32, i32) {
    %c0_i32 = arith.constant 0 : i32
    %c0_i32_0 = arith.constant 0 : i32
    %c0_i32_1 = arith.constant 0 : i32
    return %c0_i32, %c0_i32_0 : i32, i32
  }
  func.func @transform_13(%arg0: i32) -> (i32, i32) {
    %c0_i32 = arith.constant 0 : i32
    %c0_i32_0 = arith.constant 0 : i32
    %c0_i32_1 = arith.constant 0 : i32
    return %c0_i32, %c0_i32_0 : i32, i32
  }
  func.func @transform_14(%arg0: i32) -> (i32, i32) {
    %c0_i32 = arith.constant 0 : i32
    %c0_i32_0 = arith.constant 0 : i32
    %c0_i32_1 = arith.constant 0 : i32
    return %c0_i32, %c0_i32_0 : i32, i32
  }
  func.func @transform_15(%arg0: i32) -> (i32, i32) {
    %c0_i32 = arith.constant 0 : i32
    %c0_i32_0 = arith.constant 0 : i32
    %c0_i32_1 = arith.constant 0 : i32
    return %c0_i32, %c0_i32_0 : i32, i32
  }
  func.func @transform_16(%arg0: i32) -> (i32, i32) {
    %c0_i32 = arith.constant 0 : i32
    %c0_i32_0 = arith.constant 0 : i32
    %c0_i32_1 = arith.constant 0 : i32
    return %c0_i32, %c0_i32_0 : i32, i32
  }
  func.func @transform_17(%arg0: i32) -> (i32, i32) {
    %c0_i32 = arith.constant 0 : i32
    %c0_i32_0 = arith.constant 0 : i32
    %c0_i32_1 = arith.constant 0 : i32
    return %c0_i32, %c0_i32_0 : i32, i32
  }
  func.func @transform_18(%arg0: i32) -> (i32, i32) {
    %c0_i32 = arith.constant 0 : i32
    %c0_i32_0 = arith.constant 0 : i32
    %c0_i32_1 = arith.constant 0 : i32
    return %c0_i32, %c0_i32_0 : i32, i32
  }
  func.func @transform_19(%arg0: i32) -> (i32, i32) {
    %c0_i32 = arith.constant 0 : i32
    %c0_i32_0 = arith.constant 0 : i32
    %c0_i32_1 = arith.constant 0 : i32
    return %c0_i32, %c0_i32_0 : i32, i32
  }
  func.func @transform_20(%arg0: i32) -> (i32, i32) {
    %c0_i32 = arith.constant 0 : i32
    %c0_i32_0 = arith.constant 0 : i32
    %c0_i32_1 = arith.constant 0 : i32
    return %c0_i32, %c0_i32_0 : i32, i32
  }
  func.func @transform_21(%arg0: i32) -> (i32, i32) {
    %c0_i32 = arith.constant 0 : i32
    %c0_i32_0 = arith.constant 0 : i32
    %c0_i32_1 = arith.constant 0 : i32
    return %c0_i32, %c0_i32_0 : i32, i32
  }
  func.func @transform_22(%arg0: i32) -> (i32, i32) {
    %c0_i32 = arith.constant 0 : i32
    %c0_i32_0 = arith.constant 0 : i32
    %c0_i32_1 = arith.constant 0 : i32
    return %c0_i32, %c0_i32_0 : i32, i32
  }
  func.func @transform_23(%arg0: i32) -> (i32, i32) {
    %c0_i32 = arith.constant 0 : i32
    %c0_i32_0 = arith.constant 0 : i32
    %c0_i32_1 = arith.constant 0 : i32
    return %c0_i32, %c0_i32_0 : i32, i32
  }
  func.func @transform_24(%arg0: i32) -> (i32, i32) {
    %c0_i32 = arith.constant 0 : i32
    %c0_i32_0 = arith.constant 0 : i32
    %c0_i32_1 = arith.constant 0 : i32
    return %c0_i32, %c0_i32_0 : i32, i32
  }
  func.func @transform_25(%arg0: i32) -> (i32, i32) {
    %c0_i32 = arith.constant 0 : i32
    %c0_i32_0 = arith.constant 0 : i32
    %c0_i32_1 = arith.constant 0 : i32
    return %c0_i32, %c0_i32_0 : i32, i32
  }
  func.func @transform_26(%arg0: i32) -> (i32, i32) {
    %c0_i32 = arith.constant 0 : i32
    %c0_i32_0 = arith.constant 0 : i32
    %c0_i32_1 = arith.constant 0 : i32
    return %c0_i32, %c0_i32_0 : i32, i32
  }
  func.func @transform_27(%arg0: i32) -> (i32, i32) {
    %c0_i32 = arith.constant 0 : i32
    %c0_i32_0 = arith.constant 0 : i32
    %c0_i32_1 = arith.constant 0 : i32
    return %c0_i32, %c0_i32_0 : i32, i32
  }
  func.func @transform_28(%arg0: i32) -> (i32, i32, i32) {
    %c0_i32 = arith.constant 0 : i32
    %c0_i32_0 = arith.constant 0 : i32
    %c0_i32_1 = arith.constant 0 : i32
    return %arg0, %c0_i32, %c0_i32_0 : i32, i32, i32
  }
  func.func @transform_29(%arg0: i32) -> (i32, i32, i32) {
    %c0_i32 = arith.constant 0 : i32
    %c0_i32_0 = arith.constant 0 : i32
    %c0_i32_1 = arith.constant 0 : i32
    return %arg0, %c0_i32, %c0_i32_0 : i32, i32, i32
  }
}

</mosaic_0001>

<sc_bundles>
// kernel: kernel.5.cloned.1.call-start
scs
__scs_entry_jumppad:
0x0: {  	(pc) =	sbr.rel $0x88, $3  }
0x1: {  	(tag) =	ssettag $0x0;
	lr =	simm.s32 $0x1  }
0x2: {  	[smem:$0x3F86] =	sst lr;
	_ =	strace $0xD0000000  }
0x3: {  	_ = 	snop  }
0x4: {  	_ = 	snop  }
0x5: {  	_ = 	snop  }
0x6: {  	_ = 	snop  }
0x7: {  	_ = 	snop  }
__scs_overlays_trampoline_lowered:
0x8: {  	[smem:$0x3F95] =	sst s0  }
0x9: {  	[smem:$0x3F96] =	sst s1  }
0xa: {  	[smem:$0x3F97] =	sst s2  }
0xb: {  	[smem:$0x3F98] =	sst s3  }
0xc: {  	[smem:$0x3F99] =	sst s4  }
0xd: {  	[smem:$0x3F9A] =	sst s5  }
0xe: {  	[smem:$0x3F9B] =	sst s6  }
0xf: {  	[smem:$0x3F9C] =	sst s7  }
0x10: {  	[smem:$0x3F9D] =	sst s8  }
0x11: {  	[smem:$0x3F9E] =	sst s9;
	s0 =	simm.s32 @!p0 $0x0  }
0x12: {  	s1 =	sld [smem:$0x3F84];
	s0 =	simm.s32 @p0 $0x1  }
0x13: {  	[smem:$0x3F9F] =	sst s0;
	s0 =	simm.s32 @!p1 $0x0  }
0x14: {  	s2 =	sld [smem:$0x3F83];
	s0 =	simm.s32 @p1 $0x1  }
0x15: {  	[smem:$0x3FA0] =	sst s0;
	s0 =	simm.s32 @!p2 $0x0  }
0x16: {  	s3 =	sld [smem:$0x3FDB];
	s0 =	simm.s32 @p2 $0x1  }
0x17: {  	s4 =	simm.s32 $0x1BF5;
	[smem:$0x3FA2] =	sst s0  }
0x18: {  	s0 =	sld [smem:$0x3F85];
	_ =	swait.ge [sflag:s4], $0x0  }
0x19: {  	s7 =	sld [smem:$0x3F86]  }
0x1a: {  	s8 =	sadd.s32 $0xFFFFE003, lr  }
0x1b: {  	s9 =	sadd.s32 $0xFFFFFEF7, lr;
	s5 =	simm.s32 $0xFFFFFFFF;
	p2 =	slt.u32 s8, $0xFFFFF086  }
0x1c: {  	p1 =	slt.u32 s9, $0xF7A;
	s5 =	simm.s32 @!p2 $0x0  }
0x1d: {  	s5 =	simm.s32 @p1 $0x1;
	p0 =	seq.s32 s7, s2  }
0x1e: {  	s7 =	smul.u32 @!p0 $0xF7A, s2;
	p2 =	seq.s32 @!p0 s5, $0x0  }
0x1f: {  	s9 =	smul.u32 $0xF7A, s1;
	s8 =	simm.s32 @!p0 $0x1BF5;
	p2 =	por !p2, p0  }
0x20: {  	[sflag:s8] =	ssyncset.s32 @!p0 $0xFFFFF086;
	s6 =	sadd.s32 @!p0 s3, s7;
	s7 =	simm.s32 @!p0 $0x108  }
0x21: {  	s3 =	sadd.s32 s3, s9;
	s6 =	sadd.s32 @!p0 $0x88, s6;
	s7 =	simm.s32 @p2 $0x1082  }
0x22: {  	[simem:s7], [sflag:s8] =	dma.local @!p0 [hbm:s6], $0xF7A  }
0x23: {  	s9 =	sor.u32 $0xD0000000, s2;
	s6 =	simm.s32 $0x108;
	_ =	swait.ge @!p0 [sflag:s8], $0x0  }
0x24: {  	s3 =	sadd.s32 $0x88, s3;
	s6 =	simm.s32 @!p1 $0x1082;
	[sflag:s4] =	ssyncset.s32 $0xFFFFF086  }
0x25: {  	[simem:s6], [sflag:s4] =	dma.local [hbm:s3], $0xF7A  }
0x26: {  	[smem:$0x3F86] =	sst s1;
	(tag) =	ssettag s2;
	_ =	strace s9  }
0x27: {  	s1 =	sld [smem:$0x3F96]  }
0x28: {  	s2 =	sld [smem:$0x3F97]  }
0x29: {  	s4 =	sld [smem:$0x3F99]  }
0x2a: {  	p0 =	seq.s32 s5, $0x0;
	s5 =	sld [smem:$0x3F9A]  }
0x2b: {  	s6 =	sld [smem:$0x3F9B]  }
0x2c: {  	s7 =	sld [smem:$0x3F9C]  }
0x2d: {  	s3 =	simm.s32 $0x108;
	s8 =	sld [smem:$0x3F9D]  }
0x2e: {  	s3 =	simm.s32 @!p0 $0x1082;
	s9 =	sld [smem:$0x3F9E]  }
0x2f: {  	lr =	sadd.s32 s0, s3;
	s0 =	sld [smem:$0x3F95]  }
0x30: {  	s3 =	sld [smem:$0x3F98]  }
0x31: {  	[smem:$0x3FA1] =	sst s10  }
0x32: {  	s10 =	sld [smem:$0x3F9F];
	_ =	sdelay $0x3  }
0x33: {  	p0 =	seq.s32 s10, $0x1;
	s10 =	sld [smem:$0x3FA1];
	_ =	sdelay $0x3  }
0x34: {  	[smem:$0x3FA1] =	sst s10  }
0x35: {  	s10 =	sld [smem:$0x3FA0];
	_ =	sdelay $0x3  }
0x36: {  	p1 =	seq.s32 s10, $0x1;
	s10 =	sld [smem:$0x3FA1];
	_ =	sdelay $0x3  }
0x37: {  	[smem:$0x3FA1] =	sst s10  }
0x38: {  	s10 =	sld [smem:$0x3FA2]  }
0x39: {  	_ = 	snop;
	(pc) =	sbr.ind lr, $3  }
0x3a: {  	_ = 	snop  }
0x3b: {  	_ = 	snop  }
0x3c: {  	p2 =	seq.s32 s10, $0x1;
	s10 =	sld [smem:$0x3FA1]  }
0x3d: {  	_ =	shalt  }
0x3e: {  	_ =	shalt  }
0x3f: {  	_ =	shalt  }
0x40: {  	_ =	shalt  }
0x41: {  	_ =	shalt  }
0x42: {  	_ =	shalt  }
0x43: {  	_ =	shalt  }
0x44: {  	_ =	shalt  }
0x45: {  	_ =	shalt  }
0x46: {  	_ =	shalt  }
0x47: {  	_ =	shalt  }
0x48: {  	_ =	shalt  }
0x49: {  	_ =	shalt  }
0x4a: {  	_ =	shalt  }
0x4b: {  	_ =	shalt  }
0x4c: {  	_ =	shalt  }
0x4d: {  	_ =	shalt  }
0x4e: {  	_ =	shalt  }
0x4f: {  	_ =	shalt  }
0x50: {  	_ =	shalt  }
0x51: {  	_ =	shalt  }
0x52: {  	_ =	shalt  }
0x53: {  	_ =	shalt  }
0x54: {  	_ =	shalt  }
0x55: {  	_ =	shalt  }
0x56: {  	_ =	shalt  }
0x57: {  	_ =	shalt  }
0x58: {  	_ =	shalt  }
0x59: {  	_ =	shalt  }
0x5a: {  	_ =	shalt  }
0x5b: {  	_ =	shalt  }
0x5c: {  	_ =	shalt  }
0x5d: {  	_ =	shalt  }
0x5e: {  	_ =	shalt  }
0x5f: {  	_ =	shalt  }
0x60: {  	_ =	shalt  }
0x61: {  	_ =	shalt  }
0x62: {  	_ =	shalt  }
0x63: {  	_ =	shalt  }
0x64: {  	_ =	shalt  }
0x65: {  	_ =	shalt  }
0x66: {  	_ =	shalt  }
0x67: {  	_ =	shalt  }
0x68: {  	_ =	shalt  }
0x69: {  	_ =	shalt  }
0x6a: {  	_ =	shalt  }
0x6b: {  	_ =	shalt  }
0x6c: {  	_ =	shalt  }
0x6d: {  	_ =	shalt  }
0x6e: {  	_ =	shalt  }
0x6f: {  	_ =	shalt  }
0x70: {  	_ =	shalt  }
0x71: {  	_ =	shalt  }
0x72: {  	_ =	shalt  }
0x73: {  	_ =	shalt  }
0x74: {  	_ =	shalt  }
0x75: {  	_ =	shalt  }
0x76: {  	_ =	shalt  }
0x77: {  	_ =	shalt  }
0x78: {  	_ =	shalt  }
0x79: {  	_ =	shalt  }
0x7a: {  	_ =	shalt  }
0x7b: {  	_ =	shalt  }
0x7c: {  	_ =	shalt  }
0x7d: {  	_ =	shalt  }
0x7e: {  	_ =	shalt  }
0x7f: {  	_ =	shalt  }
0x80: {  	_ =	shalt  }
0x81: {  	_ =	shalt  }
0x82: {  	_ =	shalt  }
0x83: {  	_ =	shalt  }
0x84: {  	_ =	shalt  }
0x85: {  	_ =	shalt  }
0x86: {  	_ =	shalt  }
0x87: {  	_ =	shalt  }
.Lfunc_end0:
.L_simem_size_0:
called_computation_lowered:
.L_overlay_start_0:
0x88: {  	s2 =	sld [smem:$0x3FD9]  }
0x89: {  	s3 =	sld [smem:$0x3FFE];
	_ =	sdelay $0x1  }
0x8a: {  	s1 =	srdreg.scid  }
0x8b: {  	s0 =	sand.u32 $0x1, s1  }
0x8c: {  	s14 =	sshll.u32 s0, $0xA;
	s2 =	sadd.s32 s3, s2  }
0x8d: {  	s2 =	sadd.s32 s2, s14  }
0x8e: {  	[smem:$0x3FAD] =	sst s2  }
0x8f: {  	_ = 	snop  }
0x90: {  	s2 =	sld [smem:$0x3FD0];
	_ =	sdelay $0x2  }
0x91: {  	s4 =	simm.s32 $0xA;
	s5 =	simm.s32 $0x10;
	s15 =	sld [smem:$0x3FAF]  }
0x92: {  	[smem:s5], [sflag:s4] =	dma.local [hbm:s2], $0x1  }
0x93: {  	_ =	swait.eq [sflag:s4], $0x1  }
0x94: {  	[sflag:s4] =	ssyncset.done $0x0  }
0x95: {  	[sflag:s4] =	ssyncadd.s32 $0xFFFFFFFF  }
0x96: {  	s16 =	sld [smem:$0x10];
	(tm) =	ssettm $0x1  }
0x97: {  	s17 =	sld [smem:$0x3FFB];
	_ =	sdelay $0x3  }
0x98: {  	_ =	strace s17  }
0x99: {  	s4 =	sld [smem:$0x3FFC];
	_ =	sdelay $0x3  }
0x9a: {  	_ =	strace s4  }
0x9b: {  	s4 =	sld [smem:$0x3FFD];
	_ =	sdelay $0x3  }
0x9c: {  	_ =	strace s4  }
0x9d: {  	_ =	strace $0x8FFFFFFF  }
0x9e: {  	s18 =	sld [smem:$0x3FDB];
	_ =	sdelay $0x1  }
0x9f: {  	s19 =	simm.s32 $_scs_section_size  }
0xa0: {  	s6 =	simm.s32 $_size__tile_overlayer_lowered;
	s7 =	simm.s32 $_tile_overlayer_lowered  }
0xa1: {  	s22 =	simm.s32 $0x1BFF;
	s21 =	sshll.u32 s7, $0x1;
	s4 =	sadd.s32 s19, s18  }
0xa2: {  	s8 =	simm.s32 $0x0;
	s20 =	sshll.u32 s6, $0x1;
	s6 =	sadd.s32 s21, s4  }
0xa3: {  	[timem:s8], [sflag:s22] =	dma.local [hbm:s6], s20  }
0xa4: {  	_ =	swait.ge [sflag:s22], s20  }
0xa5: {  	s5 =	ssub.s32 $0x0, s20;
	[sflag:s22] =	ssyncset.done $0x0  }
0xa6: {  	[sflag:s22] =	ssyncadd.s32 s5;
	_ =	sdelay $0x1  }
0xa7: {  	s23 =	simm.s32 $0x1B8B  }
0xa8: {  	_ =	swait.ge [sflag:s23], $0x1  }
0xa9: {  	[sflag:s23] =	ssyncset.done $0x0  }
0xaa: {  	s25 =	simm.s32 $0x1B8E;
	s24 =	sld [smem:$0x3FFE];
	[sflag:s23] =	ssyncadd.s32 $0xFFFFFFFF  }
0xab: {  	s26 =	simm.s32 $execute0_lowered;
	[smem:$0x3FD2] =	sst s25  }
0xac: {  	s6 =	sshll.u32 s26, $0x1;
	_ =	strace $0x80000046;
	[dreg:$0x1] =	wrdreg $0xFFFFFFFF  }
0xad: {  	s28 =	simm.s32 $_size_execute0_lowered;
	s4 =	sadd.s32 s4, s6;
	[dreg:$0x0] =	wrdreg $0x0  }
0xae: {  	s6 =	sshll.u32 s28, $0x1;
	[dreg:$0x2] =	wrdreg s4  }
0xaf: {  	[dreg:$0x3] =	wrdreg s6  }
0xb0: {  	[dreg:$0x4] =	wrdreg $0xC0  }
0xb1: {  	_ =	task [dreg:s8], $0x5FFFF  }
0xb2: {  	[dreg:$0x1] =	wrdreg $0xFFFFFFFF  }
0xb3: {  	[dreg:$0x0] =	wrdreg $0x60  }
0xb4: {  	[dreg:$0x2] =	wrdreg s16  }
0xb5: {  	[dreg:$0x3] =	wrdreg s15  }
0xb6: {  	[dreg:$0x4] =	wrdreg s24  }
0xb7: {  	[dreg:$0x5] =	wrdreg $0x9  }
0xb8: {  	_ =	task.clear_ibuf [dreg:s8], $0x6FFFF;
	_ =	strace $0x90000046  }
0xb9: {  	s29 =	simm.s32 $0x9;
	_ =	strace $0x80000048  }
0xba: {  	_ =	swait.ge [sflag:s29], $0x1  }
0xbb: {  	[sflag:s29] =	ssyncadd.s32 $0xFFFFFFFF  }
0xbc: {  	_ =	strace $0x90000048  }
0xbd: {  	_ =	sfence  }
0xbe: {  	s30 =	sld [smem:$0x0];
	_ =	sdelay $0x2  }
0xbf: {  	s31 =	sshll.u32 s1, $0xD;
	s1 =	sshrl.u32 s1, $0x2  }
0xc0: {  	s3 =	sand.u32 $0x4000, s31;
	s1 =	sadd.s32 s1, s30  }
0xc1: {  	s0 =	sor.u32 s3, s0;
	s1 =	sshll.u32 s1, $0x11  }
0xc2: {  	s0 =	sor.u32 s1, s0  }
0xc3: {  	s0 =	sadd.s32 $0x8F2B, s0  }
0xc4: {  	[sflag:s0] =	ssyncadd.remote.s32 $0x1  }
0xc5: {  	_ =	sfence.sel $0xFFFF  }
0xc6: {  	[dreg:$0x0] =	wrdreg $0xFFFFFFFF;
	(pc) =	sbr.abs _section_cstart, $3  }
0xc7: {  	[dreg:$0x1] =	wrdreg $0xFFFFFFFF  }
0xc8: {  	_ =	task.clear_ibuf [dreg:s8], $0x2FFFF;
	_ =	strace $0x9FFFFFFF  }
0xc9: {  	(tm) =	ssettm $0x7FFFFFFF  }
tec
execute0_lowered:
.L_overlay_start_1:
0x0: {  	(tag) =	ssettag $0x1  }
0x1: {  	s0 =	rddreg [dreg:$0x0]  }
0x2: {  	s2 =	rddreg [dreg:$0x1]  }
0x3: {  	s1 =	rddreg [dreg:$0x2];
	s3 =	simm.s32 $0x0  }
0x4: {  	s7 =	stileid.u32;
	s4 =	srdreg.scid;
	s21 =	simm.s32 $0x880  }
0x5: {  	s23 =	simm.s32 $0x1080;
	s24 =	simm.s32 $0x1880;
	s26 =	simm.s32 $0x2080  }
0x6: {  	s10 =	simm.s32 $0x2880;
	s11 =	simm.s32 $0x3080;
	s12 =	simm.s32 $0x3880  }
0x7: {  	s13 =	simm.s32 $0x4080;
	s14 =	simm.s32 $0x4880;
	s15 =	simm.s32 $0x5080  }
0x8: {  	s16 =	simm.s32 $0x5880;
	s17 =	simm.s32 $0x6080;
	s18 =	simm.s32 $0x6880  }
0x9: {  	s28 =	simm.s32 $0xB080;
	s29 =	simm.s32 $0xB880;
	s30 =	simm.s32 $0x1  }
0xa: {  	s31 =	simm.s32 $0x0;
	[smem:$0x7FF] =	sst s3;
	s5 =	smul.u32 $0xC000, s7  }
0xb: {  	s6 =	sand.u32 $0x1, s4;
	_ =	strace $0x80000047;
	[dreg:$0x5] =	wrdreg s21  }
0xc: {  	s7 =	sshll.u32 s7, $0x6;
	s4 =	ssub.s32 $0x2, s6;
	[dreg:$0x6] =	wrdreg s23  }
0xd: {  	s9 =	sshll.u32 s6, $0x5;
	s0 =	sadd.s32 s7, s0;
	[dreg:$0x7] =	wrdreg s24  }
0xe: {  	s20 =	smul.u32 $0x6000, s6;
	[dreg:$0x8] =	wrdreg s26;
	s21 =	simm.s32 $0x8080  }
0xf: {  	s23 =	simm.s32 $0x9080;
	s24 =	simm.s32 $0x9880;
	s26 =	simm.s32 $0xA880  }
0x10: {  	s1 =	sadd.s32 s5, s1;
	s19 =	sshrl.u32 s4, $0x1;
	s5 =	sadd.s32 $0x200, s2  }
0x11: {  	s0 =	sadd.s32 s9, s0;
	s9 =	simm.s32 $0x80;
	s8 =	ssub.s32 s4, s19  }
0x12: {  	s4 =	sadd.s32 $0x100, s2;
	[dreg:$0x4] =	wrdreg s0;
	s1 =	sadd.s32 s20, s1  }
0x13: {  	v2 =	vlaneseq.u32;
	s19 =	simm.s32 $0x7080;
	s20 =	simm.s32 $0x7880;
	s22 =	smax.u32 s8, $0x1  }
0x14: {  	vm0 =	vmmov $0xffff;
	v1 =	vshrl.u32 v2, $0x3;
	s25 =	sadd.s32 $0x4400, s1;
	s8 =	simm.s32 $0x2;
	[dreg:$0x9] =	wrdreg s22  }
0x15: {  	v0 =	vand.u32 $0x7, v2;
	v2 =	vor.u32 $0x8, v2;
	v1 =	vmul.u32 $0x8, v1;
	[dreg:$0xa] =	wrdreg s25;
	s22 =	simm.s32 $0x8880;
	s25 =	simm.s32 $0xA080  }
.LBB2_1:
0x16: {  	s7 =	rddreg [dreg:$0xa];
	s1 =	simm.s32 $0x0  }
.LBB2_2:
0x17: {  	s6 =	rddreg [dreg:$0x4]  }
0x18: {  	s6 =	sadd.s32 s1, s6  }
0x19: {  	[tilespmem:s3], [sflag:$0x2] =	stream.linear.gather [hbm4b:s6+s3], $0x40, $0x38;
	[tilespmem:$0xC080] =	vst v63  }
0x1a: {  	_ =	swait.ge [sflag:s8], $0x40  }
0x1b: {  	[sflag:s8] =	ssyncset.done $0x0  }
0x1c: {  	[sflag:s8] =	ssyncadd.s32 $0xFFFFFFC0  }
0x1d: {  	v3 =	vld [tilespmem:$0x0];
	_ =	sdelay $0x4  }
0x1e: {  	v4 =	vshrl.u32 v3, $0x3  }
0x1f: {  	v4 =	vmul.u32 $0x30, v4  }
0x20: {  	v3 =	vand.u32 $0x7, v3  }
0x21: {  	v3 =	vor.u32 v3, v4  }
0x22: {  	v4 =	vperm.xlane v3, v0;
	_ =	sdelay $0x1  }
0x23: {  	v4 =	vadd.s32 v1, v4;
	_ =	sdelay $0x3  }
0x24: {  	v3 =	vperm.xlane v3, v2  }
0x25: {  	[tilespmem:s9], [sflag:$0x1] =	stream.indirect_vreg.gather [hbm4b:s2+s3], $0x80, v4, vm0, $0xb8;
	[tilespmem:$0xC080] =	vst v63  }
0x26: {  	s6 =	rddreg [dreg:$0x5];
	v3 =	vadd.s32 v1, v3  }
0x27: {  	[tilespmem:s6], [sflag:$0x1] =	stream.indirect_vreg.gather [hbm4b:s4+s3], $0x80, v4, vm0, $0xb8;
	[tilespmem:$0xC080] =	vst v63  }
0x28: {  	s0 =	rddreg [dreg:$0x6]  }
0x29: {  	[tilespmem:s0], [sflag:$0x1] =	stream.indirect_vreg.gather [hbm4b:s5+s3], $0x80, v4, vm0, $0xb8;
	[tilespmem:$0xC080] =	vst v63  }
0x2a: {  	s6 =	rddreg [dreg:$0x7]  }
0x2b: {  	[tilespmem:s6], [sflag:$0x1] =	stream.indirect_vreg.gather [hbm4b:s2+s3], $0x80, v3, vm0, $0xb8;
	[tilespmem:$0xC080] =	vst v63  }
0x2c: {  	s0 =	rddreg [dreg:$0x8]  }
0x2d: {  	[tilespmem:s0], [sflag:$0x1] =	stream.indirect_vreg.gather [hbm4b:s4+s3], $0x80, v3, vm0, $0xb8;
	[tilespmem:$0xC080] =	vst v63  }
0x2e: {  	_ = 	snop  }
0x2f: {  	[tilespmem:s10], [sflag:$0x1] =	stream.indirect_vreg.gather [hbm4b:s5+s3], $0x80, v3, vm0, $0xb8;
	[tilespmem:$0xC080] =	vst v63  }
0x30: {  	v3 =	vld [tilespmem:$0x10];
	_ =	sdelay $0x4  }
0x31: {  	v61 =	vshrl.u32 v3, $0x3  }
0x32: {  	v4 =	vmul.u32 $0x30, v61  }
0x33: {  	v3 =	vand.u32 $0x7, v3  }
0x34: {  	v3 =	vor.u32 v3, v4  }
0x35: {  	v4 =	vperm.xlane v3, v0;
	_ =	sdelay $0x1  }
0x36: {  	v4 =	vadd.s32 v1, v4;
	_ =	sdelay $0x3  }
0x37: {  	v3 =	vperm.xlane v3, v2  }
0x38: {  	[tilespmem:s11], [sflag:$0x1] =	stream.indirect_vreg.gather [hbm4b:s2+s3], $0x80, v4, vm0, $0xb8;
	[tilespmem:$0xC080] =	vst v63  }
0x39: {  	v3 =	vadd.s32 v1, v3  }
0x3a: {  	[tilespmem:s12], [sflag:$0x1] =	stream.indirect_vreg.gather [hbm4b:s4+s3], $0x80, v4, vm0, $0xb8;
	[tilespmem:$0xC080] =	vst v63  }
0x3b: {  	_ = 	snop  }
0x3c: {  	[tilespmem:s13], [sflag:$0x1] =	stream.indirect_vreg.gather [hbm4b:s5+s3], $0x80, v4, vm0, $0xb8;
	[tilespmem:$0xC080] =	vst v63  }
0x3d: {  	_ = 	snop  }
0x3e: {  	[tilespmem:s14], [sflag:$0x1] =	stream.indirect_vreg.gather [hbm4b:s2+s3], $0x80, v3, vm0, $0xb8;
	[tilespmem:$0xC080] =	vst v63  }
0x3f: {  	_ = 	snop  }
0x40: {  	[tilespmem:s15], [sflag:$0x1] =	stream.indirect_vreg.gather [hbm4b:s4+s3], $0x80, v3, vm0, $0xb8;
	[tilespmem:$0xC080] =	vst v63  }
0x41: {  	_ = 	snop  }
0x42: {  	[tilespmem:s16], [sflag:$0x1] =	stream.indirect_vreg.gather [hbm4b:s5+s3], $0x80, v3, vm0, $0xb8;
	[tilespmem:$0xC080] =	vst v63  }
0x43: {  	v3 =	vld [tilespmem:$0x20];
	_ =	sdelay $0x4  }
0x44: {  	v62 =	vshrl.u32 v3, $0x3  }
0x45: {  	v4 =	vmul.u32 $0x30, v62  }
0x46: {  	v3 =	vand.u32 $0x7, v3  }
0x47: {  	v3 =	vor.u32 v3, v4  }
0x48: {  	v4 =	vperm.xlane v3, v0;
	_ =	sdelay $0x1  }
0x49: {  	v4 =	vadd.s32 v1, v4;
	_ =	sdelay $0x3  }
0x4a: {  	v3 =	vperm.xlane v3, v2  }
0x4b: {  	[tilespmem:s17], [sflag:$0x1] =	stream.indirect_vreg.gather [hbm4b:s2+s3], $0x80, v4, vm0, $0xb8;
	[tilespmem:$0xC080] =	vst v63  }
0x4c: {  	v3 =	vadd.s32 v1, v3  }
0x4d: {  	[tilespmem:s18], [sflag:$0x1] =	stream.indirect_vreg.gather [hbm4b:s4+s3], $0x80, v4, vm0, $0xb8;
	[tilespmem:$0xC080] =	vst v63  }
0x4e: {  	_ = 	snop  }
0x4f: {  	[tilespmem:s19], [sflag:$0x1] =	stream.indirect_vreg.gather [hbm4b:s5+s3], $0x80, v4, vm0, $0xb8;
	[tilespmem:$0xC080] =	vst v63  }
0x50: {  	_ = 	snop  }
0x51: {  	[tilespmem:s20], [sflag:$0x1] =	stream.indirect_vreg.gather [hbm4b:s2+s3], $0x80, v3, vm0, $0xb8;
	[tilespmem:$0xC080] =	vst v63  }
0x52: {  	_ = 	snop  }
0x53: {  	[tilespmem:s21], [sflag:$0x1] =	stream.indirect_vreg.gather [hbm4b:s4+s3], $0x80, v3, vm0, $0xb8;
	[tilespmem:$0xC080] =	vst v63  }
0x54: {  	_ = 	snop  }
0x55: {  	[tilespmem:s22], [sflag:$0x1] =	stream.indirect_vreg.gather [hbm4b:s5+s3], $0x80, v3, vm0, $0xb8;
	[tilespmem:$0xC080] =	vst v63  }
0x56: {  	v3 =	vld [tilespmem:$0x30];
	_ =	sdelay $0x4  }
0x57: {  	v63 =	vshrl.u32 v3, $0x3  }
0x58: {  	v4 =	vmul.u32 $0x30, v63  }
0x59: {  	v3 =	vand.u32 $0x7, v3  }
0x5a: {  	v3 =	vor.u32 v3, v4  }
0x5b: {  	v4 =	vperm.xlane v3, v0;
	_ =	sdelay $0x1  }
0x5c: {  	v4 =	vadd.s32 v1, v4;
	_ =	sdelay $0x3  }
0x5d: {  	v3 =	vperm.xlane v3, v2  }
0x5e: {  	[tilespmem:s23], [sflag:$0x1] =	stream.indirect_vreg.gather [hbm4b:s2+s3], $0x80, v4, vm0, $0xb8;
	[tilespmem:$0xC080] =	vst v63  }
0x5f: {  	v3 =	vadd.s32 v1, v3  }
0x60: {  	[tilespmem:s24], [sflag:$0x1] =	stream.indirect_vreg.gather [hbm4b:s4+s3], $0x80, v4, vm0, $0xb8;
	[tilespmem:$0xC080] =	vst v63  }
0x61: {  	_ = 	snop  }
0x62: {  	[tilespmem:s25], [sflag:$0x1] =	stream.indirect_vreg.gather [hbm4b:s5+s3], $0x80, v4, vm0, $0xb8;
	[tilespmem:$0xC080] =	vst v63  }
0x63: {  	_ = 	snop  }
0x64: {  	[tilespmem:s26], [sflag:$0x1] =	stream.indirect_vreg.gather [hbm4b:s2+s3], $0x80, v3, vm0, $0xb8;
	[tilespmem:$0xC080] =	vst v63  }
0x65: {  	_ = 	snop  }
0x66: {  	[tilespmem:s28], [sflag:$0x1] =	stream.indirect_vreg.gather [hbm4b:s4+s3], $0x80, v3, vm0, $0xb8;
	[tilespmem:$0xC080] =	vst v63  }
0x67: {  	_ = 	snop  }
0x68: {  	[tilespmem:s29], [sflag:$0x1] =	stream.indirect_vreg.gather [hbm4b:s5+s3], $0x80, v3, vm0, $0xb8;
	[tilespmem:$0xC080] =	vst v63  }
0x69: {  	_ =	swait.ge [sflag:s30], $0xC000  }
0x6a: {  	p0 =	sne.s32 s1, $0x18;
	[sflag:s30] =	ssyncset.done $0x0  }
.Ltmp0:
0x6b: {  	[sflag:s30] =	ssyncadd.s32 $0xFFFF4000;
	(pc) =	sbr.rel @p0 .LBB2_2-.Ltmp0, $4  }
0x6c: {  	[hbm4b:s7+s3] =	stream.linear.scatter [tilespmem:s9], [sflag:$0x2], $0xC000, $0x38;
	[tilespmem:$0xC080] =	vst v63  }
0x6d: {  	_ =	swait.ge [sflag:s8], $0xC000  }
0x6e: {  	[sflag:s8] =	ssyncset.done $0x0  }
0x6f: {  	s1 =	sadd.s32 $0x8, s1;
	s7 =	sadd.s32 $0x1800, s7;
	[sflag:s8] =	ssyncadd.s32 $0xFFFF4000  }
0x70: {  	s31 =	sadd.s32 $0x1, s31;
	s0 =	rddreg [dreg:$0x9]  }
0x71: {  	p0 =	sne.s32 s31, s0  }
.Ltmp1:
0x72: {  	_ = 	snop;
	(pc) =	sbr.rel @p0 .LBB2_1-.Ltmp1, $1  }
0x73: {  	_ =	sdelay $0x3  }
0x74: {  	_ =	sfence.sel $0x180000  }
0x75: {  	[bflag:$0x0] =	sbarrier.arrive $0xFFFF  }
0x76: {  	_ =	strace $0x90000047  }
0x77: {  	s0 =	stileid.u32;
	[bflag:$0x2] =	sbarrier.arrive $0xFFFF  }
0x78: {  	p0 =	sne.s32 s0, $0x0;
	s0 =	rddreg [dreg:$0x3]  }
0x79: {  	s0 =	sadd.s32 @!p0 $0x100000, s0  }
0x7a: {  	[sflag:s0] =	ssyncadd.tile.s32 @!p0 $0x1;
	_ =	shalt  }
.Lfunc_end2:
_tile_overlayer_lowered:
.L_overlay_start_2:
0x7b: {  	(tag) =	ssettag $0x2  }
0x7c: {  	s0 =	rddreg [dreg:$0x0];
	s2 =	stileid.u32  }
0x7d: {  	s1 =	rddreg [dreg:$0x1];
	p0 =	sne.s32 s2, $0x0  }
0x7e: {  	s3 =	rddreg [dreg:$0x2];
	[bflag:$0x3] =	sbarrier.arrive $0xFFFF;
	s2 =	simm.s32 @!p0 $0x1C02  }
0x7f: {  	[timem:s3], [sflag:s2] =	dma.local @!p0 [hbm:s0], s1  }
0x80: {  	s0 =	simm.s32 @!p0 $0x2  }
0x81: {  	_ =	swait.ge @!p0 [sflag:s0], s1  }
0x82: {  	s1 =	ssub.s32 @!p0 $0x0, s1;
	[sflag:s0] =	ssyncset.done @!p0 $0x0  }
0x83: {  	[sflag:s0] =	ssyncadd.s32 @!p0 s1  }
0x84: {  	[bflag:$0x3] =	sbarrier.arrive $0xFFFF  }
0x85: {  	_ =	shalt  }

</sc_bundles>
